<compile_context>
chip_gen: v7x
topology: tpu7x:2x2x1
jax: 0.10.2.dev20260603
libtpu: 0.0.44.dev20260713+nightly
codegen_flags: <defaults>
</compile_context>

<pallas_src>
import functools

import jax
import jax.numpy as jnp
from jax import lax
from jax.experimental import pallas as pl
from jax.experimental.pallas import tpu as pltpu
from jax.experimental.pallas import tpu_sc as plsc

HIDDEN = 64
NSTATES = 8
SEQ = 197
EPS = 1e-5

NC, NS = 2, 16
NW = NC * NS
RCH = 480
GSL = [(o, min(128, RCH - o)) for o in range(0, RCH, 128)]


def _prep_body(g_ref, st_ref, pos_ref, gam_ref, bet_ref, plut_ref, idx_ref):
    pid = pl.program_id(0)
    g = g_ref[...]
    nb = g.shape[0]
    z1 = jnp.zeros((nb, 1), jnp.int32)
    m2 = jnp.concatenate(
        [z1, g[:, 0:SEQ - 1], z1, g[:, SEQ - 1:2 * (SEQ - 1)]], axis=1)
    ii = lax.broadcasted_iota(jnp.int32, (2 * SEQ, SEQ), 0)
    jj = lax.broadcasted_iota(jnp.int32, (2 * SEQ, SEQ), 1)
    w = (jnp.where(ii == 2 * jj, 8.0, 0.0)
         + jnp.where(ii == 2 * jj + 1, 1.0, 0.0)).astype(jnp.float32)
    mm = jnp.dot(m2.astype(jnp.float32), w,
                 preferred_element_type=jnp.float32)
    jq = lax.broadcasted_iota(jnp.int32, (nb, SEQ), 1)
    q = jnp.where(2 * jq < SEQ, 2 * jq, 2 * jq - SEQ)
    idx_ref[...] = q * (NSTATES * NSTATES) + mm.astype(jnp.int32)

    @pl.when(pid == 0)
    def _():
        x = (pos_ref[0:SEQ, :].reshape(SEQ, 1, HIDDEN)
             + st_ref[...].reshape(1, NSTATES, HIDDEN))
        mu = jnp.mean(x, axis=-1, keepdims=True)
        var = jnp.mean((x - mu) ** 2, axis=-1, keepdims=True)
        y = (x - mu) / jnp.sqrt(var + EPS)
        lut = (y * gam_ref[...].reshape(1, 1, HIDDEN)
               + bet_ref[...].reshape(1, 1, HIDDEN))
        lut_next = jnp.concatenate([lut[1:SEQ], lut[0:1]], axis=0)
        plut_ref[:, :, :, 0:HIDDEN] = jnp.broadcast_to(
            lut.reshape(SEQ, NSTATES, 1, HIDDEN),
            (SEQ, NSTATES, NSTATES, HIDDEN))
        plut_ref[:, :, :, HIDDEN:] = jnp.broadcast_to(
            lut_next.reshape(SEQ, 1, NSTATES, HIDDEN),
            (SEQ, NSTATES, NSTATES, HIDDEN))


def _prep(grid_cat, states_table, pos_table, gamma2, beta2):
    nrows = grid_cat.shape[0]
    nblk = 4
    blk = nrows // nblk
    return pl.pallas_call(
        _prep_body,
        grid=(nblk,),
        in_specs=[
            pl.BlockSpec((blk, grid_cat.shape[1]), lambda i: (i, 0)),
            pl.BlockSpec(states_table.shape, lambda i: (0, 0)),
            pl.BlockSpec(pos_table.shape, lambda i: (0, 0)),
            pl.BlockSpec((1, HIDDEN), lambda i: (0, 0)),
            pl.BlockSpec((1, HIDDEN), lambda i: (0, 0)),
        ],
        out_specs=[
            pl.BlockSpec((SEQ, NSTATES, NSTATES, 2 * HIDDEN),
                         lambda i: (0, 0, 0, 0)),
            pl.BlockSpec((blk, SEQ), lambda i: (i, 0)),
        ],
        out_shape=[
            jax.ShapeDtypeStruct((SEQ, NSTATES, NSTATES, 2 * HIDDEN),
                                 jnp.float32),
            jax.ShapeDtypeStruct((nrows, SEQ), jnp.int32),
        ],
    )(grid_cat, states_table, pos_table, gamma2, beta2)


def _sc_gather_one(plut, pidx, batch, half):
    pairs_per_tile = (batch * SEQ // 2) // NW
    nfull = (pairs_per_tile // RCH) & ~1
    tail = pairs_per_tile - nfull * RCH
    tail_gsl = [(o, min(128, tail - o)) for o in range(0, tail, 128)]
    mesh = plsc.VectorSubcoreMesh(core_axis_name="c", subcore_axis_name="s")
    out_t = jax.ShapeDtypeStruct((batch * SEQ // 2, 2 * HIDDEN), jnp.float32)

    @functools.partial(
        pl.kernel,
        out_type=out_t,
        mesh=mesh,
        compiler_params=pltpu.CompilerParams(use_tc_tiling_on_sc=False),
        scratch_types=[
            pltpu.VMEM((RCH,), jnp.int32),
            pltpu.VMEM((RCH,), jnp.int32),
            pltpu.VMEM((RCH, 2 * HIDDEN), jnp.float32),
            pltpu.VMEM((RCH, 2 * HIDDEN), jnp.float32),
            pltpu.SemaphoreType.DMA,
            pltpu.SemaphoreType.DMA,
            pltpu.SemaphoreType.DMA,
            pltpu.SemaphoreType.DMA,
            pltpu.SemaphoreType.DMA,
            pltpu.SemaphoreType.DMA,
        ],
    )
    def run(plut_hbm, pidx_hbm, out_ref,
            iv0, iv1, rv0, rv1, si0, si1, sg0, sg1, ss0, ss1):
        wid = lax.axis_index("s") * NC + lax.axis_index("c")
        idx_v = (iv0, iv1)
        rows_v = (rv0, rv1)
        semi = (si0, si1)
        semg = (sg0, sg1)
        sems = (ss0, ss1)

        hrow0 = wid * pairs_per_tile
        irow0 = half * batch * SEQ // 2 + wid * pairs_per_tile

        def fire_idx(ci, b, n):
            pltpu.async_copy(pidx_hbm.at[pl.ds(irow0 + ci * RCH, n)],
                             idx_v[b].at[pl.ds(0, n)], semi[b])

        def wait_idx(b, n):
            pltpu.make_async_copy(pidx_hbm.at[pl.ds(0, n)],
                                  idx_v[b].at[pl.ds(0, n)], semi[b]).wait()

        def fire_gathers(b, gsl):
            for (o, sz) in gsl:
                pltpu.async_copy(plut_hbm.at[idx_v[b].at[pl.ds(o, sz)]],
                                 rows_v[b].at[pl.ds(o, sz)], semg[b])

        def wait_gathers(b, n):
            pltpu.make_async_copy(
                plut_hbm.at[pl.ds(0, n)],
                rows_v[b].at[pl.ds(0, n)], semg[b]).wait()

        def fire_scatter(ci, b, n):
            pltpu.async_copy(rows_v[b].at[pl.ds(0, n)],
                             out_ref.at[pl.ds(hrow0 + ci * RCH, n)],
                             sems[b])

        def drain_scatter(b, n):
            pltpu.make_async_copy(rows_v[b].at[pl.ds(0, n)],
                                  out_ref.at[pl.ds(0, n)], sems[b]).wait()

        fire_idx(0, 0, RCH)
        fire_idx(1, 1, RCH)

        @pl.loop(0, nfull, step=2)
        def _(g):
            for b in range(2):
                gi = g + b
                wait_idx(b, RCH)

                @pl.when(gi >= 2)
                def _():
                    drain_scatter(b, RCH)

                fire_gathers(b, GSL)
                wait_gathers(b, RCH)

                @pl.when(gi + 2 < nfull)
                def _():
                    fire_idx(gi + 2, b, RCH)

                fire_scatter(gi, b, RCH)

        if tail:
            fire_idx(nfull, 0, tail)
            wait_idx(0, tail)
            drain_scatter(0, RCH)
            fire_gathers(0, tail_gsl)
            wait_gathers(0, tail)
            drain_scatter(1, RCH)
            fire_scatter(nfull, 0, tail)
            drain_scatter(0, tail)
        else:
            drain_scatter(0, RCH)
            drain_scatter(1, RCH)

    return run(plut, pidx)


def kernel(grid_si, grid_sj, states_table, pos_table, ln_gamma, ln_beta):
    batch = grid_si.shape[0]
    ntok = grid_si.shape[1] * grid_si.shape[2]
    grid_cat = jnp.concatenate(
        [grid_si.reshape(batch, ntok), grid_sj.reshape(batch, ntok)], axis=0)
    grid2 = grid_cat.reshape(batch, 2 * ntok)
    plut4, pidx2 = _prep(grid2, states_table, pos_table,
                         ln_gamma.reshape(1, HIDDEN), ln_beta.reshape(1, HIDDEN))
    plut = plut4.reshape(SEQ * NSTATES * NSTATES, 2 * HIDDEN)
    pidx = pidx2.reshape(-1)
    out_si = _sc_gather_one(plut, pidx, batch, 0)
    out_sj = _sc_gather_one(plut, pidx, batch, 1)
    return (out_si.reshape(batch, SEQ, HIDDEN),
            out_sj.reshape(batch, SEQ, HIDDEN))

# --- scband reference (transcript-rebuilt; emitter-appended) ---
"""Pipeline reference for scband-scoring-embedding-40544491274661 (READ-ONLY COPY).

The authoritative reference and input builder live on the scoring server;
editing this copy changes nothing except your own understanding.
"""

import jax, jax.numpy as jnp
import numpy as np

HIDDEN = 64
VOCAB_STATES = 6 + 2
POS_SIZE = 200
SCALAR = 1.0
EPS = 1e-5


def setup_inputs(seed: int = 0) -> dict:
    key = jax.random.key(seed)
    k1, k2, k3, k4 = jax.random.split(key, 4)
    grid_si = jax.random.randint(k1, (4096, 14, 14), 0, VOCAB_STATES, dtype=jnp.int64 if jax.config.read('jax_enable_x64') else jnp.int32).astype(jnp.int32)
    grid_sj = jax.random.randint(k2, (4096, 14, 14), 0, VOCAB_STATES, dtype=jnp.int32)
    states_table = jax.random.normal(k3, (VOCAB_STATES, HIDDEN), dtype=jnp.float32)
    pos_table = jax.random.normal(k4, (POS_SIZE, HIDDEN), dtype=jnp.float32)
    ln_gamma = jnp.ones((HIDDEN,), dtype=jnp.float32)
    ln_beta = jnp.zeros((HIDDEN,), dtype=jnp.float32)
    return {"grid_si": grid_si, "grid_sj": grid_sj, "states_table": states_table, "pos_table": pos_table, "ln_gamma": ln_gamma, "ln_beta": ln_beta}


def _prepare_inputs(grid):
    b = grid.shape[0]
    flat = grid.reshape(b, -1)
    cls = jnp.zeros((b, 1), dtype=flat.dtype)
    input_ids = jnp.concatenate([cls, flat], axis=1)
    position_ids = jnp.broadcast_to(jnp.arange(input_ids.shape[1], dtype=flat.dtype)[None, :], input_ids.shape)
    return input_ids, position_ids


def _layer_norm(x, gamma, beta):
    mu = jnp.mean(x, axis=-1, keepdims=True)
    var = jnp.mean((x - mu) ** 2, axis=-1, keepdims=True)
    return (x - mu) / jnp.sqrt(var + EPS) * gamma + beta


def reference(grid_si, grid_sj, states_table, pos_table, ln_gamma, ln_beta):
    ids_si, pos_si = _prepare_inputs(grid_si)
    ids_sj, pos_sj = _prepare_inputs(grid_sj)
    emb_si = jnp.take(states_table, ids_si, axis=0) + jnp.take(pos_table, pos_si, axis=0)
    emb_sj = jnp.take(states_table, ids_sj, axis=0) + jnp.take(pos_table, pos_sj, axis=0)
    out_si = _layer_norm(emb_si, ln_gamma, ln_beta) * SCALAR
    out_sj = _layer_norm(emb_sj, ln_gamma, ln_beta) * SCALAR
    return (out_si, out_sj)

if __name__ == "__main__":
    import jax
    _d = setup_inputs()
    print(jax.jit(kernel)(*tuple(_d.values())))

</pallas_src>

<mosaic_0001>
#map = affine_map<(d0, d1) -> (0, 0)>
#map1 = affine_map<(d0, d1) -> (0)>
module attributes {stable_mosaic.version = 14 : i64} {
  func.func @run(%arg0: i32, %arg1: i32, %arg2: memref<12608x128xf32, #tpu.memory_space<hbm>>, %arg3: memref<806912xi32, #tpu.memory_space<hbm>>, %arg4: memref<403456x128xf32, #tpu.memory_space<hbm>>, %arg5: memref<480xi32, #tpu.memory_space<vmem>>, %arg6: memref<480xi32, #tpu.memory_space<vmem>>, %arg7: memref<480x128xf32, #tpu.memory_space<vmem>>, %arg8: memref<480x128xf32, #tpu.memory_space<vmem>>, %arg9: memref<!tpu.dma_semaphore, #tpu.memory_space<semaphore_mem>>, %arg10: memref<!tpu.dma_semaphore, #tpu.memory_space<semaphore_mem>>, %arg11: memref<!tpu.dma_semaphore, #tpu.memory_space<semaphore_mem>>, %arg12: memref<!tpu.dma_semaphore, #tpu.memory_space<semaphore_mem>>, %arg13: memref<!tpu.dma_semaphore, #tpu.memory_space<semaphore_mem>>, %arg14: memref<!tpu.dma_semaphore, #tpu.memory_space<semaphore_mem>>) attributes {dimension_semantics = [#tpu.dimension_semantics<core_parallel>, #tpu.dimension_semantics<subcore_parallel>], iteration_bounds = array<i64: 2, 16>, scalar_prefetch = 0 : i64, scratch_operands = 10 : i64, tpu.core_type = #tpu.core_type<sc_vector_subcore>, window_params = [{transform_indices = #map}, {transform_indices = #map1}, {transform_indices = #map}]} {
    %mul3A = arith.constant 2 : i32
    %mul3A_0 = arith.muli %arg1, %mul3A : i32
    %add3A = arith.addi %mul3A_0, %arg0 : i32
    %mul3A_1 = arith.constant 12608 : i32
    %mul3A_2 = arith.muli %add3A, %mul3A_1 : i32
    %mul3A_3 = arith.constant 12608 : i32
    %mul3A_4 = arith.muli %add3A, %mul3A_3 : i32
    %add3A_5 = arith.constant 403456 : i32
    %add3A_6 = arith.addi %add3A_5, %mul3A_4 : i32
    %add3A_7 = arith.constant 0 : i32
    %add3A_8 = arith.addi %add3A_6, %add3A_7 : i32
    %dma_start3A = arith.constant 0 : i32
    %dma_start3A_9 = tpu.memref_slice %arg5[%dma_start3A] : memref<480xi32, #tpu.memory_space<vmem>> -> memref<480xi32, #tpu.memory_space<vmem>>
    %dma_start3A_10 = tpu.memref_slice %arg3[%add3A_8] : memref<806912xi32, #tpu.memory_space<hbm>> -> memref<480xi32, #tpu.memory_space<hbm>>
    %dma_start3A_11 = arith.constant 0 : i32
    %dma_start3A_12 = tpu.memref_slice %arg5[%dma_start3A_11] : memref<480xi32, #tpu.memory_space<vmem>> -> memref<480xi32, #tpu.memory_space<vmem>>
    %dma_start3A_13 = tpu.memref_slice %arg3[%add3A_8] : memref<806912xi32, #tpu.memory_space<hbm>> -> memref<480xi32, #tpu.memory_space<hbm>>
    tpu.enqueue_dma source(%dma_start3A_13 : memref<480xi32, #tpu.memory_space<hbm>>) target(%dma_start3A_12 : memref<480xi32, #tpu.memory_space<vmem>>) target_semaphore(%arg9 : memref<!tpu.dma_semaphore, #tpu.memory_space<semaphore_mem>>)
    %add3A_14 = arith.constant 480 : i32
    %add3A_15 = arith.addi %add3A_6, %add3A_14 : i32
    %dma_start3A_16 = arith.constant 0 : i32
    %dma_start3A_17 = tpu.memref_slice %arg6[%dma_start3A_16] : memref<480xi32, #tpu.memory_space<vmem>> -> memref<480xi32, #tpu.memory_space<vmem>>
    %dma_start3A_18 = tpu.memref_slice %arg3[%add3A_15] : memref<806912xi32, #tpu.memory_space<hbm>> -> memref<480xi32, #tpu.memory_space<hbm>>
    %dma_start3A_19 = arith.constant 0 : i32
    %dma_start3A_20 = tpu.memref_slice %arg6[%dma_start3A_19] : memref<480xi32, #tpu.memory_space<vmem>> -> memref<480xi32, #tpu.memory_space<vmem>>
    %dma_start3A_21 = tpu.memref_slice %arg3[%add3A_15] : memref<806912xi32, #tpu.memory_space<hbm>> -> memref<480xi32, #tpu.memory_space<hbm>>
    tpu.enqueue_dma source(%dma_start3A_21 : memref<480xi32, #tpu.memory_space<hbm>>) target(%dma_start3A_20 : memref<480xi32, #tpu.memory_space<vmem>>) target_semaphore(%arg10 : memref<!tpu.dma_semaphore, #tpu.memory_space<semaphore_mem>>)
    %scan3A = arith.constant 0 : i32
    %scan3A_22 = arith.constant 13 : i32
    %scan3A_23 = arith.addi %scan3A, %scan3A_22 : i32
    %scan3A_24 = arith.constant 1 : i32
    scf.for %scan3A_109 = %scan3A to %scan3A_23 step %scan3A_24  : i32 {
      %mul3A_110 = arith.constant 2 : i32
      %mul3A_111 = arith.muli %scan3A_109, %mul3A_110 : i32
      %add3A_112 = arith.constant 0 : i32
      %add3A_113 = arith.addi %add3A_112, %mul3A_111 : i32
      %add3A_114 = arith.constant 0 : i32
      %add3A_115 = arith.addi %add3A_113, %add3A_114 : i32
      %dma_wait3A_116 = arith.constant 0 : i32
      %dma_wait3A_117 = tpu.memref_slice %arg5[%dma_wait3A_116] : memref<480xi32, #tpu.memory_space<vmem>> -> memref<480xi32, #tpu.memory_space<vmem>>
      %dma_wait3A_118 = arith.constant 0 : i32
      %dma_wait3A_119 = tpu.memref_slice %arg3[%dma_wait3A_118] : memref<806912xi32, #tpu.memory_space<hbm>> -> memref<480xi32, #tpu.memory_space<hbm>>
      %dma_wait3A_120 = arith.constant 0 : i32
      %dma_wait3A_121 = tpu.memref_slice %arg5[%dma_wait3A_120] : memref<480xi32, #tpu.memory_space<vmem>> -> memref<480xi32, #tpu.memory_space<vmem>>
      %dma_wait3A_122 = arith.constant 0 : i32
      %dma_wait3A_123 = tpu.memref_slice %arg3[%dma_wait3A_122] : memref<806912xi32, #tpu.memory_space<hbm>> -> memref<480xi32, #tpu.memory_space<hbm>>
      tpu.wait_dma2 semaphore(%arg9 : memref<!tpu.dma_semaphore, #tpu.memory_space<semaphore_mem>>) src(%dma_wait3A_123 : memref<480xi32, #tpu.memory_space<hbm>>) dst(%dma_wait3A_121 : memref<480xi32, #tpu.memory_space<vmem>>)
      %ge3A = arith.constant 2 : i32
      %ge3A_124 = arith.cmpi sge, %add3A_115, %ge3A : i32
      %convert_element_type3A = arith.extui %ge3A_124 : i1 to i32
      %cond3A = arith.constant 0 : i32
      %cond3A_125 = arith.cmpi ne, %convert_element_type3A, %cond3A : i32
      scf.if %cond3A_125 {
        %dma_wait3A_268 = arith.constant 0 : i32
        %dma_wait3A_269 = arith.constant 0 : i32
        %dma_wait3A_270 = tpu.memref_slice %arg7[%dma_wait3A_268, %dma_wait3A_269] : memref<480x128xf32, #tpu.memory_space<vmem>> -> memref<480x128xf32, #tpu.memory_space<vmem>>
        %dma_wait3A_271 = arith.constant 0 : i32
        %dma_wait3A_272 = arith.constant 0 : i32
        %dma_wait3A_273 = tpu.memref_slice %arg4[%dma_wait3A_271, %dma_wait3A_272] : memref<403456x128xf32, #tpu.memory_space<hbm>> -> memref<480x128xf32, #tpu.memory_space<hbm>>
        %dma_wait3A_274 = arith.constant 0 : i32
        %dma_wait3A_275 = arith.constant 0 : i32
        %dma_wait3A_276 = tpu.memref_slice %arg4[%dma_wait3A_274, %dma_wait3A_275] : memref<403456x128xf32, #tpu.memory_space<hbm>> -> memref<480x128xf32, #tpu.memory_space<hbm>>
        %dma_wait3A_277 = arith.constant 0 : i32
        %dma_wait3A_278 = arith.constant 0 : i32
        %dma_wait3A_279 = tpu.memref_slice %arg7[%dma_wait3A_277, %dma_wait3A_278] : memref<480x128xf32, #tpu.memory_space<vmem>> -> memref<480x128xf32, #tpu.memory_space<vmem>>
        tpu.wait_dma2 semaphore(%arg13 : memref<!tpu.dma_semaphore, #tpu.memory_space<semaphore_mem>>) src(%dma_wait3A_279 : memref<480x128xf32, #tpu.memory_space<vmem>>) dst(%dma_wait3A_276 : memref<480x128xf32, #tpu.memory_space<hbm>>)
      } else {
      }
      %dma_start3A_126 = arith.constant 0 : i32
      %dma_start3A_127 = arith.constant 0 : i32
      %dma_start3A_128 = tpu.memref_slice %arg7[%dma_start3A_126, %dma_start3A_127] : memref<480x128xf32, #tpu.memory_space<vmem>> -> memref<128x128xf32, #tpu.memory_space<vmem>>
      %dma_start3A_129 = arith.constant 0 : i32
      %dma_start3A_130 = tpu.memref_slice %arg5[%dma_start3A_129] : memref<480xi32, #tpu.memory_space<vmem>> -> memref<128xi32, #tpu.memory_space<vmem>>
      %dma_start3A_131 = arith.constant 0 : i32
      %dma_start3A_132 = arith.constant 0 : i32
      %dma_start3A_133 = tpu.memref_slice %arg2[%dma_start3A_131, %dma_start3A_132] : memref<12608x128xf32, #tpu.memory_space<hbm>> -> memref<12608x128xf32, #tpu.memory_space<hbm>>
      tpu.enqueue_indirect_dma source(%dma_start3A_133 : memref<12608x128xf32, #tpu.memory_space<hbm>>) target(%dma_start3A_128 : memref<128x128xf32, #tpu.memory_space<vmem>>) offsets(%dma_start3A_130 : memref<128xi32, #tpu.memory_space<vmem>>) semaphore(%arg11 : memref<!tpu.dma_semaphore, #tpu.memory_space<semaphore_mem>>)
      %dma_start3A_134 = arith.constant 128 : i32
      %dma_start3A_135 = arith.constant 0 : i32
      %dma_start3A_136 = tpu.memref_slice %arg7[%dma_start3A_134, %dma_start3A_135] : memref<480x128xf32, #tpu.memory_space<vmem>> -> memref<128x128xf32, #tpu.memory_space<vmem>>
      %dma_start3A_137 = arith.constant 128 : i32
      %dma_start3A_138 = tpu.memref_slice %arg5[%dma_start3A_137] : memref<480xi32, #tpu.memory_space<vmem>> -> memref<128xi32, #tpu.memory_space<vmem>>
      %dma_start3A_139 = arith.constant 0 : i32
      %dma_start3A_140 = arith.constant 0 : i32
      %dma_start3A_141 = tpu.memref_slice %arg2[%dma_start3A_139, %dma_start3A_140] : memref<12608x128xf32, #tpu.memory_space<hbm>> -> memref<12608x128xf32, #tpu.memory_space<hbm>>
      tpu.enqueue_indirect_dma source(%dma_start3A_141 : memref<12608x128xf32, #tpu.memory_space<hbm>>) target(%dma_start3A_136 : memref<128x128xf32, #tpu.memory_space<vmem>>) offsets(%dma_start3A_138 : memref<128xi32, #tpu.memory_space<vmem>>) semaphore(%arg11 : memref<!tpu.dma_semaphore, #tpu.memory_space<semaphore_mem>>)
      %dma_start3A_142 = arith.constant 256 : i32
      %dma_start3A_143 = arith.constant 0 : i32
      %dma_start3A_144 = tpu.memref_slice %arg7[%dma_start3A_142, %dma_start3A_143] : memref<480x128xf32, #tpu.memory_space<vmem>> -> memref<128x128xf32, #tpu.memory_space<vmem>>
      %dma_start3A_145 = arith.constant 256 : i32
      %dma_start3A_146 = tpu.memref_slice %arg5[%dma_start3A_145] : memref<480xi32, #tpu.memory_space<vmem>> -> memref<128xi32, #tpu.memory_space<vmem>>
      %dma_start3A_147 = arith.constant 0 : i32
      %dma_start3A_148 = arith.constant 0 : i32
      %dma_start3A_149 = tpu.memref_slice %arg2[%dma_start3A_147, %dma_start3A_148] : memref<12608x128xf32, #tpu.memory_space<hbm>> -> memref<12608x128xf32, #tpu.memory_space<hbm>>
      tpu.enqueue_indirect_dma source(%dma_start3A_149 : memref<12608x128xf32, #tpu.memory_space<hbm>>) target(%dma_start3A_144 : memref<128x128xf32, #tpu.memory_space<vmem>>) offsets(%dma_start3A_146 : memref<128xi32, #tpu.memory_space<vmem>>) semaphore(%arg11 : memref<!tpu.dma_semaphore, #tpu.memory_space<semaphore_mem>>)
      %dma_start3A_150 = arith.constant 384 : i32
      %dma_start3A_151 = arith.constant 0 : i32
      %dma_start3A_152 = tpu.memref_slice %arg7[%dma_start3A_150, %dma_start3A_151] : memref<480x128xf32, #tpu.memory_space<vmem>> -> memref<96x128xf32, #tpu.memory_space<vmem>>
      %dma_start3A_153 = arith.constant 384 : i32
      %dma_start3A_154 = tpu.memref_slice %arg5[%dma_start3A_153] : memref<480xi32, #tpu.memory_space<vmem>> -> memref<96xi32, #tpu.memory_space<vmem>>
      %dma_start3A_155 = arith.constant 0 : i32
      %dma_start3A_156 = arith.constant 0 : i32
      %dma_start3A_157 = tpu.memref_slice %arg2[%dma_start3A_155, %dma_start3A_156] : memref<12608x128xf32, #tpu.memory_space<hbm>> -> memref<12608x128xf32, #tpu.memory_space<hbm>>
      tpu.enqueue_indirect_dma source(%dma_start3A_157 : memref<12608x128xf32, #tpu.memory_space<hbm>>) target(%dma_start3A_152 : memref<96x128xf32, #tpu.memory_space<vmem>>) offsets(%dma_start3A_154 : memref<96xi32, #tpu.memory_space<vmem>>) semaphore(%arg11 : memref<!tpu.dma_semaphore, #tpu.memory_space<semaphore_mem>>)
      %dma_wait3A_158 = arith.constant 0 : i32
      %dma_wait3A_159 = arith.constant 0 : i32
      %dma_wait3A_160 = tpu.memref_slice %arg7[%dma_wait3A_158, %dma_wait3A_159] : memref<480x128xf32, #tpu.memory_space<vmem>> -> memref<480x128xf32, #tpu.memory_space<vmem>>
      %dma_wait3A_161 = arith.constant 0 : i32
      %dma_wait3A_162 = arith.constant 0 : i32
      %dma_wait3A_163 = tpu.memref_slice %arg2[%dma_wait3A_161, %dma_wait3A_162] : memref<12608x128xf32, #tpu.memory_space<hbm>> -> memref<480x128xf32, #tpu.memory_space<hbm>>
      %dma_wait3A_164 = arith.constant 0 : i32
      %dma_wait3A_165 = arith.constant 0 : i32
      %dma_wait3A_166 = tpu.memref_slice %arg7[%dma_wait3A_164, %dma_wait3A_165] : memref<480x128xf32, #tpu.memory_space<vmem>> -> memref<480x128xf32, #tpu.memory_space<vmem>>
      %dma_wait3A_167 = arith.constant 0 : i32
      %dma_wait3A_168 = arith.constant 0 : i32
      %dma_wait3A_169 = tpu.memref_slice %arg2[%dma_wait3A_167, %dma_wait3A_168] : memref<12608x128xf32, #tpu.memory_space<hbm>> -> memref<480x128xf32, #tpu.memory_space<hbm>>
      tpu.wait_dma2 semaphore(%arg11 : memref<!tpu.dma_semaphore, #tpu.memory_space<semaphore_mem>>) src(%dma_wait3A_169 : memref<480x128xf32, #tpu.memory_space<hbm>>) dst(%dma_wait3A_166 : memref<480x128xf32, #tpu.memory_space<vmem>>)
      %add3A_170 = arith.constant 2 : i32
      %add3A_171 = arith.addi %add3A_115, %add3A_170 : i32
      %lt3A = arith.constant 26 : i32
      %lt3A_172 = arith.cmpi slt, %add3A_171, %lt3A : i32
      %convert_element_type3A_173 = arith.extui %lt3A_172 : i1 to i32
      %cond3A_174 = arith.constant 0 : i32
      %cond3A_175 = arith.cmpi ne, %convert_element_type3A_173, %cond3A_174 : i32
      scf.if %cond3A_175 {
        %add3A_268 = arith.constant 2 : i32
        %add3A_269 = arith.addi %add3A_115, %add3A_268 : i32
        %mul3A_270 = arith.constant 480 : i32
        %mul3A_271 = arith.muli %add3A_269, %mul3A_270 : i32
        %add3A_272 = arith.addi %add3A_6, %mul3A_271 : i32
        %dma_start3A_273 = arith.constant 0 : i32
        %dma_start3A_274 = tpu.memref_slice %arg5[%dma_start3A_273] : memref<480xi32, #tpu.memory_space<vmem>> -> memref<480xi32, #tpu.memory_space<vmem>>
        %dma_start3A_275 = tpu.memref_slice %arg3[%add3A_272] : memref<806912xi32, #tpu.memory_space<hbm>> -> memref<480xi32, #tpu.memory_space<hbm>>
        %dma_start3A_276 = arith.constant 0 : i32
        %dma_start3A_277 = tpu.memref_slice %arg5[%dma_start3A_276] : memref<480xi32, #tpu.memory_space<vmem>> -> memref<480xi32, #tpu.memory_space<vmem>>
        %dma_start3A_278 = tpu.memref_slice %arg3[%add3A_272] : memref<806912xi32, #tpu.memory_space<hbm>> -> memref<480xi32, #tpu.memory_space<hbm>>
        tpu.enqueue_dma source(%dma_start3A_278 : memref<480xi32, #tpu.memory_space<hbm>>) target(%dma_start3A_277 : memref<480xi32, #tpu.memory_space<vmem>>) target_semaphore(%arg9 : memref<!tpu.dma_semaphore, #tpu.memory_space<semaphore_mem>>)
      } else {
      }
      %mul3A_176 = arith.constant 480 : i32
      %mul3A_177 = arith.muli %add3A_115, %mul3A_176 : i32
      %add3A_178 = arith.addi %mul3A_2, %mul3A_177 : i32
      %dma_start3A_179 = arith.constant 0 : i32
      %dma_start3A_180 = arith.constant 0 : i32
      %dma_start3A_181 = tpu.memref_slice %arg7[%dma_start3A_179, %dma_start3A_180] : memref<480x128xf32, #tpu.memory_space<vmem>> -> memref<480x128xf32, #tpu.memory_space<vmem>>
      %dma_start3A_182 = arith.constant 0 : i32
      %dma_start3A_183 = tpu.memref_slice %arg4[%add3A_178, %dma_start3A_182] : memref<403456x128xf32, #tpu.memory_space<hbm>> -> memref<480x128xf32, #tpu.memory_space<hbm>>
      %dma_start3A_184 = arith.constant 0 : i32
      %dma_start3A_185 = tpu.memref_slice %arg4[%add3A_178, %dma_start3A_184] : memref<403456x128xf32, #tpu.memory_space<hbm>> -> memref<480x128xf32, #tpu.memory_space<hbm>>
      %dma_start3A_186 = arith.constant 0 : i32
      %dma_start3A_187 = arith.constant 0 : i32
      %dma_start3A_188 = tpu.memref_slice %arg7[%dma_start3A_186, %dma_start3A_187] : memref<480x128xf32, #tpu.memory_space<vmem>> -> memref<480x128xf32, #tpu.memory_space<vmem>>
      tpu.enqueue_dma source(%dma_start3A_188 : memref<480x128xf32, #tpu.memory_space<vmem>>) target(%dma_start3A_185 : memref<480x128xf32, #tpu.memory_space<hbm>>) target_semaphore(%arg13 : memref<!tpu.dma_semaphore, #tpu.memory_space<semaphore_mem>>)
      %add3A_189 = arith.constant 1 : i32
      %add3A_190 = arith.addi %add3A_113, %add3A_189 : i32
      %dma_wait3A_191 = arith.constant 0 : i32
      %dma_wait3A_192 = tpu.memref_slice %arg6[%dma_wait3A_191] : memref<480xi32, #tpu.memory_space<vmem>> -> memref<480xi32, #tpu.memory_space<vmem>>
      %dma_wait3A_193 = arith.constant 0 : i32
      %dma_wait3A_194 = tpu.memref_slice %arg3[%dma_wait3A_193] : memref<806912xi32, #tpu.memory_space<hbm>> -> memref<480xi32, #tpu.memory_space<hbm>>
      %dma_wait3A_195 = arith.constant 0 : i32
      %dma_wait3A_196 = tpu.memref_slice %arg6[%dma_wait3A_195] : memref<480xi32, #tpu.memory_space<vmem>> -> memref<480xi32, #tpu.memory_space<vmem>>
      %dma_wait3A_197 = arith.constant 0 : i32
      %dma_wait3A_198 = tpu.memref_slice %arg3[%dma_wait3A_197] : memref<806912xi32, #tpu.memory_space<hbm>> -> memref<480xi32, #tpu.memory_space<hbm>>
      tpu.wait_dma2 semaphore(%arg10 : memref<!tpu.dma_semaphore, #tpu.memory_space<semaphore_mem>>) src(%dma_wait3A_198 : memref<480xi32, #tpu.memory_space<hbm>>) dst(%dma_wait3A_196 : memref<480xi32, #tpu.memory_space<vmem>>)
      %ge3A_199 = arith.constant 2 : i32
      %ge3A_200 = arith.cmpi sge, %add3A_190, %ge3A_199 : i32
      %convert_element_type3A_201 = arith.extui %ge3A_200 : i1 to i32
      %cond3A_202 = arith.constant 0 : i32
      %cond3A_203 = arith.cmpi ne, %convert_element_type3A_201, %cond3A_202 : i32
      scf.if %cond3A_203 {
        %dma_wait3A_268 = arith.constant 0 : i32
        %dma_wait3A_269 = arith.constant 0 : i32
        %dma_wait3A_270 = tpu.memref_slice %arg8[%dma_wait3A_268, %dma_wait3A_269] : memref<480x128xf32, #tpu.memory_space<vmem>> -> memref<480x128xf32, #tpu.memory_space<vmem>>
        %dma_wait3A_271 = arith.constant 0 : i32
        %dma_wait3A_272 = arith.constant 0 : i32
        %dma_wait3A_273 = tpu.memref_slice %arg4[%dma_wait3A_271, %dma_wait3A_272] : memref<403456x128xf32, #tpu.memory_space<hbm>> -> memref<480x128xf32, #tpu.memory_space<hbm>>
        %dma_wait3A_274 = arith.constant 0 : i32
        %dma_wait3A_275 = arith.constant 0 : i32
        %dma_wait3A_276 = tpu.memref_slice %arg4[%dma_wait3A_274, %dma_wait3A_275] : memref<403456x128xf32, #tpu.memory_space<hbm>> -> memref<480x128xf32, #tpu.memory_space<hbm>>
        %dma_wait3A_277 = arith.constant 0 : i32
        %dma_wait3A_278 = arith.constant 0 : i32
        %dma_wait3A_279 = tpu.memref_slice %arg8[%dma_wait3A_277, %dma_wait3A_278] : memref<480x128xf32, #tpu.memory_space<vmem>> -> memref<480x128xf32, #tpu.memory_space<vmem>>
        tpu.wait_dma2 semaphore(%arg14 : memref<!tpu.dma_semaphore, #tpu.memory_space<semaphore_mem>>) src(%dma_wait3A_279 : memref<480x128xf32, #tpu.memory_space<vmem>>) dst(%dma_wait3A_276 : memref<480x128xf32, #tpu.memory_space<hbm>>)
      } else {
      }
      %dma_start3A_204 = arith.constant 0 : i32
      %dma_start3A_205 = arith.constant 0 : i32
      %dma_start3A_206 = tpu.memref_slice %arg8[%dma_start3A_204, %dma_start3A_205] : memref<480x128xf32, #tpu.memory_space<vmem>> -> memref<128x128xf32, #tpu.memory_space<vmem>>
      %dma_start3A_207 = arith.constant 0 : i32
      %dma_start3A_208 = tpu.memref_slice %arg6[%dma_start3A_207] : memref<480xi32, #tpu.memory_space<vmem>> -> memref<128xi32, #tpu.memory_space<vmem>>
      %dma_start3A_209 = arith.constant 0 : i32
      %dma_start3A_210 = arith.constant 0 : i32
      %dma_start3A_211 = tpu.memref_slice %arg2[%dma_start3A_209, %dma_start3A_210] : memref<12608x128xf32, #tpu.memory_space<hbm>> -> memref<12608x128xf32, #tpu.memory_space<hbm>>
      tpu.enqueue_indirect_dma source(%dma_start3A_211 : memref<12608x128xf32, #tpu.memory_space<hbm>>) target(%dma_start3A_206 : memref<128x128xf32, #tpu.memory_space<vmem>>) offsets(%dma_start3A_208 : memref<128xi32, #tpu.memory_space<vmem>>) semaphore(%arg12 : memref<!tpu.dma_semaphore, #tpu.memory_space<semaphore_mem>>)
      %dma_start3A_212 = arith.constant 128 : i32
      %dma_start3A_213 = arith.constant 0 : i32
      %dma_start3A_214 = tpu.memref_slice %arg8[%dma_start3A_212, %dma_start3A_213] : memref<480x128xf32, #tpu.memory_space<vmem>> -> memref<128x128xf32, #tpu.memory_space<vmem>>
      %dma_start3A_215 = arith.constant 128 : i32
      %dma_start3A_216 = tpu.memref_slice %arg6[%dma_start3A_215] : memref<480xi32, #tpu.memory_space<vmem>> -> memref<128xi32, #tpu.memory_space<vmem>>
      %dma_start3A_217 = arith.constant 0 : i32
      %dma_start3A_218 = arith.constant 0 : i32
      %dma_start3A_219 = tpu.memref_slice %arg2[%dma_start3A_217, %dma_start3A_218] : memref<12608x128xf32, #tpu.memory_space<hbm>> -> memref<12608x128xf32, #tpu.memory_space<hbm>>
      tpu.enqueue_indirect_dma source(%dma_start3A_219 : memref<12608x128xf32, #tpu.memory_space<hbm>>) target(%dma_start3A_214 : memref<128x128xf32, #tpu.memory_space<vmem>>) offsets(%dma_start3A_216 : memref<128xi32, #tpu.memory_space<vmem>>) semaphore(%arg12 : memref<!tpu.dma_semaphore, #tpu.memory_space<semaphore_mem>>)
      %dma_start3A_220 = arith.constant 256 : i32
      %dma_start3A_221 = arith.constant 0 : i32
      %dma_start3A_222 = tpu.memref_slice %arg8[%dma_start3A_220, %dma_start3A_221] : memref<480x128xf32, #tpu.memory_space<vmem>> -> memref<128x128xf32, #tpu.memory_space<vmem>>
      %dma_start3A_223 = arith.constant 256 : i32
      %dma_start3A_224 = tpu.memref_slice %arg6[%dma_start3A_223] : memref<480xi32, #tpu.memory_space<vmem>> -> memref<128xi32, #tpu.memory_space<vmem>>
      %dma_start3A_225 = arith.constant 0 : i32
      %dma_start3A_226 = arith.constant 0 : i32
      %dma_start3A_227 = tpu.memref_slice %arg2[%dma_start3A_225, %dma_start3A_226] : memref<12608x128xf32, #tpu.memory_space<hbm>> -> memref<12608x128xf32, #tpu.memory_space<hbm>>
      tpu.enqueue_indirect_dma source(%dma_start3A_227 : memref<12608x128xf32, #tpu.memory_space<hbm>>) target(%dma_start3A_222 : memref<128x128xf32, #tpu.memory_space<vmem>>) offsets(%dma_start3A_224 : memref<128xi32, #tpu.memory_space<vmem>>) semaphore(%arg12 : memref<!tpu.dma_semaphore, #tpu.memory_space<semaphore_mem>>)
      %dma_start3A_228 = arith.constant 384 : i32
      %dma_start3A_229 = arith.constant 0 : i32
      %dma_start3A_230 = tpu.memref_slice %arg8[%dma_start3A_228, %dma_start3A_229] : memref<480x128xf32, #tpu.memory_space<vmem>> -> memref<96x128xf32, #tpu.memory_space<vmem>>
      %dma_start3A_231 = arith.constant 384 : i32
      %dma_start3A_232 = tpu.memref_slice %arg6[%dma_start3A_231] : memref<480xi32, #tpu.memory_space<vmem>> -> memref<96xi32, #tpu.memory_space<vmem>>
      %dma_start3A_233 = arith.constant 0 : i32
      %dma_start3A_234 = arith.constant 0 : i32
      %dma_start3A_235 = tpu.memref_slice %arg2[%dma_start3A_233, %dma_start3A_234] : memref<12608x128xf32, #tpu.memory_space<hbm>> -> memref<12608x128xf32, #tpu.memory_space<hbm>>
      tpu.enqueue_indirect_dma source(%dma_start3A_235 : memref<12608x128xf32, #tpu.memory_space<hbm>>) target(%dma_start3A_230 : memref<96x128xf32, #tpu.memory_space<vmem>>) offsets(%dma_start3A_232 : memref<96xi32, #tpu.memory_space<vmem>>) semaphore(%arg12 : memref<!tpu.dma_semaphore, #tpu.memory_space<semaphore_mem>>)
      %dma_wait3A_236 = arith.constant 0 : i32
      %dma_wait3A_237 = arith.constant 0 : i32
      %dma_wait3A_238 = tpu.memref_slice %arg8[%dma_wait3A_236, %dma_wait3A_237] : memref<480x128xf32, #tpu.memory_space<vmem>> -> memref<480x128xf32, #tpu.memory_space<vmem>>
      %dma_wait3A_239 = arith.constant 0 : i32
      %dma_wait3A_240 = arith.constant 0 : i32
      %dma_wait3A_241 = tpu.memref_slice %arg2[%dma_wait3A_239, %dma_wait3A_240] : memref<12608x128xf32, #tpu.memory_space<hbm>> -> memref<480x128xf32, #tpu.memory_space<hbm>>
      %dma_wait3A_242 = arith.constant 0 : i32
      %dma_wait3A_243 = arith.constant 0 : i32
      %dma_wait3A_244 = tpu.memref_slice %arg8[%dma_wait3A_242, %dma_wait3A_243] : memref<480x128xf32, #tpu.memory_space<vmem>> -> memref<480x128xf32, #tpu.memory_space<vmem>>
      %dma_wait3A_245 = arith.constant 0 : i32
      %dma_wait3A_246 = arith.constant 0 : i32
      %dma_wait3A_247 = tpu.memref_slice %arg2[%dma_wait3A_245, %dma_wait3A_246] : memref<12608x128xf32, #tpu.memory_space<hbm>> -> memref<480x128xf32, #tpu.memory_space<hbm>>
      tpu.wait_dma2 semaphore(%arg12 : memref<!tpu.dma_semaphore, #tpu.memory_space<semaphore_mem>>) src(%dma_wait3A_247 : memref<480x128xf32, #tpu.memory_space<hbm>>) dst(%dma_wait3A_244 : memref<480x128xf32, #tpu.memory_space<vmem>>)
      %add3A_248 = arith.constant 2 : i32
      %add3A_249 = arith.addi %add3A_190, %add3A_248 : i32
      %lt3A_250 = arith.constant 26 : i32
      %lt3A_251 = arith.cmpi slt, %add3A_249, %lt3A_250 : i32
      %convert_element_type3A_252 = arith.extui %lt3A_251 : i1 to i32
      %cond3A_253 = arith.constant 0 : i32
      %cond3A_254 = arith.cmpi ne, %convert_element_type3A_252, %cond3A_253 : i32
      scf.if %cond3A_254 {
        %add3A_268 = arith.constant 2 : i32
        %add3A_269 = arith.addi %add3A_190, %add3A_268 : i32
        %mul3A_270 = arith.constant 480 : i32
        %mul3A_271 = arith.muli %add3A_269, %mul3A_270 : i32
        %add3A_272 = arith.addi %add3A_6, %mul3A_271 : i32
        %dma_start3A_273 = arith.constant 0 : i32
        %dma_start3A_274 = tpu.memref_slice %arg6[%dma_start3A_273] : memref<480xi32, #tpu.memory_space<vmem>> -> memref<480xi32, #tpu.memory_space<vmem>>
        %dma_start3A_275 = tpu.memref_slice %arg3[%add3A_272] : memref<806912xi32, #tpu.memory_space<hbm>> -> memref<480xi32, #tpu.memory_space<hbm>>
        %dma_start3A_276 = arith.constant 0 : i32
        %dma_start3A_277 = tpu.memref_slice %arg6[%dma_start3A_276] : memref<480xi32, #tpu.memory_space<vmem>> -> memref<480xi32, #tpu.memory_space<vmem>>
        %dma_start3A_278 = tpu.memref_slice %arg3[%add3A_272] : memref<806912xi32, #tpu.memory_space<hbm>> -> memref<480xi32, #tpu.memory_space<hbm>>
        tpu.enqueue_dma source(%dma_start3A_278 : memref<480xi32, #tpu.memory_space<hbm>>) target(%dma_start3A_277 : memref<480xi32, #tpu.memory_space<vmem>>) target_semaphore(%arg10 : memref<!tpu.dma_semaphore, #tpu.memory_space<semaphore_mem>>)
      } else {
      }
      %mul3A_255 = arith.constant 480 : i32
      %mul3A_256 = arith.muli %add3A_190, %mul3A_255 : i32
      %add3A_257 = arith.addi %mul3A_2, %mul3A_256 : i32
      %dma_start3A_258 = arith.constant 0 : i32
      %dma_start3A_259 = arith.constant 0 : i32
      %dma_start3A_260 = tpu.memref_slice %arg8[%dma_start3A_258, %dma_start3A_259] : memref<480x128xf32, #tpu.memory_space<vmem>> -> memref<480x128xf32, #tpu.memory_space<vmem>>
      %dma_start3A_261 = arith.constant 0 : i32
      %dma_start3A_262 = tpu.memref_slice %arg4[%add3A_257, %dma_start3A_261] : memref<403456x128xf32, #tpu.memory_space<hbm>> -> memref<480x128xf32, #tpu.memory_space<hbm>>
      %dma_start3A_263 = arith.constant 0 : i32
      %dma_start3A_264 = tpu.memref_slice %arg4[%add3A_257, %dma_start3A_263] : memref<403456x128xf32, #tpu.memory_space<hbm>> -> memref<480x128xf32, #tpu.memory_space<hbm>>
      %dma_start3A_265 = arith.constant 0 : i32
      %dma_start3A_266 = arith.constant 0 : i32
      %dma_start3A_267 = tpu.memref_slice %arg8[%dma_start3A_265, %dma_start3A_266] : memref<480x128xf32, #tpu.memory_space<vmem>> -> memref<480x128xf32, #tpu.memory_space<vmem>>
      tpu.enqueue_dma source(%dma_start3A_267 : memref<480x128xf32, #tpu.memory_space<vmem>>) target(%dma_start3A_264 : memref<480x128xf32, #tpu.memory_space<hbm>>) target_semaphore(%arg14 : memref<!tpu.dma_semaphore, #tpu.memory_space<semaphore_mem>>)
    }
    %scan3A_25 = arith.constant 13 : i32
    %add3A_26 = arith.constant 12480 : i32
    %add3A_27 = arith.addi %add3A_6, %add3A_26 : i32
    %dma_start3A_28 = arith.constant 0 : i32
    %dma_start3A_29 = tpu.memref_slice %arg5[%dma_start3A_28] : memref<480xi32, #tpu.memory_space<vmem>> -> memref<128xi32, #tpu.memory_space<vmem>>
    %dma_start3A_30 = tpu.memref_slice %arg3[%add3A_27] : memref<806912xi32, #tpu.memory_space<hbm>> -> memref<128xi32, #tpu.memory_space<hbm>>
    %dma_start3A_31 = arith.constant 0 : i32
    %dma_start3A_32 = tpu.memref_slice %arg5[%dma_start3A_31] : memref<480xi32, #tpu.memory_space<vmem>> -> memref<128xi32, #tpu.memory_space<vmem>>
    %dma_start3A_33 = tpu.memref_slice %arg3[%add3A_27] : memref<806912xi32, #tpu.memory_space<hbm>> -> memref<128xi32, #tpu.memory_space<hbm>>
    tpu.enqueue_dma source(%dma_start3A_33 : memref<128xi32, #tpu.memory_space<hbm>>) target(%dma_start3A_32 : memref<128xi32, #tpu.memory_space<vmem>>) target_semaphore(%arg9 : memref<!tpu.dma_semaphore, #tpu.memory_space<semaphore_mem>>)
    %dma_wait3A = arith.constant 0 : i32
    %dma_wait3A_34 = tpu.memref_slice %arg5[%dma_wait3A] : memref<480xi32, #tpu.memory_space<vmem>> -> memref<128xi32, #tpu.memory_space<vmem>>
    %dma_wait3A_35 = arith.constant 0 : i32
    %dma_wait3A_36 = tpu.memref_slice %arg3[%dma_wait3A_35] : memref<806912xi32, #tpu.memory_space<hbm>> -> memref<128xi32, #tpu.memory_space<hbm>>
    %dma_wait3A_37 = arith.constant 0 : i32
    %dma_wait3A_38 = tpu.memref_slice %arg5[%dma_wait3A_37] : memref<480xi32, #tpu.memory_space<vmem>> -> memref<128xi32, #tpu.memory_space<vmem>>
    %dma_wait3A_39 = arith.constant 0 : i32
    %dma_wait3A_40 = tpu.memref_slice %arg3[%dma_wait3A_39] : memref<806912xi32, #tpu.memory_space<hbm>> -> memref<128xi32, #tpu.memory_space<hbm>>
    tpu.wait_dma2 semaphore(%arg9 : memref<!tpu.dma_semaphore, #tpu.memory_space<semaphore_mem>>) src(%dma_wait3A_40 : memref<128xi32, #tpu.memory_space<hbm>>) dst(%dma_wait3A_38 : memref<128xi32, #tpu.memory_space<vmem>>)
    %dma_wait3A_41 = arith.constant 0 : i32
    %dma_wait3A_42 = arith.constant 0 : i32
    %dma_wait3A_43 = tpu.memref_slice %arg7[%dma_wait3A_41, %dma_wait3A_42] : memref<480x128xf32, #tpu.memory_space<vmem>> -> memref<480x128xf32, #tpu.memory_space<vmem>>
    %dma_wait3A_44 = arith.constant 0 : i32
    %dma_wait3A_45 = arith.constant 0 : i32
    %dma_wait3A_46 = tpu.memref_slice %arg4[%dma_wait3A_44, %dma_wait3A_45] : memref<403456x128xf32, #tpu.memory_space<hbm>> -> memref<480x128xf32, #tpu.memory_space<hbm>>
    %dma_wait3A_47 = arith.constant 0 : i32
    %dma_wait3A_48 = arith.constant 0 : i32
    %dma_wait3A_49 = tpu.memref_slice %arg4[%dma_wait3A_47, %dma_wait3A_48] : memref<403456x128xf32, #tpu.memory_space<hbm>> -> memref<480x128xf32, #tpu.memory_space<hbm>>
    %dma_wait3A_50 = arith.constant 0 : i32
    %dma_wait3A_51 = arith.constant 0 : i32
    %dma_wait3A_52 = tpu.memref_slice %arg7[%dma_wait3A_50, %dma_wait3A_51] : memref<480x128xf32, #tpu.memory_space<vmem>> -> memref<480x128xf32, #tpu.memory_space<vmem>>
    tpu.wait_dma2 semaphore(%arg13 : memref<!tpu.dma_semaphore, #tpu.memory_space<semaphore_mem>>) src(%dma_wait3A_52 : memref<480x128xf32, #tpu.memory_space<vmem>>) dst(%dma_wait3A_49 : memref<480x128xf32, #tpu.memory_space<hbm>>)
    %dma_start3A_53 = arith.constant 0 : i32
    %dma_start3A_54 = arith.constant 0 : i32
    %dma_start3A_55 = tpu.memref_slice %arg7[%dma_start3A_53, %dma_start3A_54] : memref<480x128xf32, #tpu.memory_space<vmem>> -> memref<128x128xf32, #tpu.memory_space<vmem>>
    %dma_start3A_56 = arith.constant 0 : i32
    %dma_start3A_57 = tpu.memref_slice %arg5[%dma_start3A_56] : memref<480xi32, #tpu.memory_space<vmem>> -> memref<128xi32, #tpu.memory_space<vmem>>
    %dma_start3A_58 = arith.constant 0 : i32
    %dma_start3A_59 = arith.constant 0 : i32
    %dma_start3A_60 = tpu.memref_slice %arg2[%dma_start3A_58, %dma_start3A_59] : memref<12608x128xf32, #tpu.memory_space<hbm>> -> memref<12608x128xf32, #tpu.memory_space<hbm>>
    tpu.enqueue_indirect_dma source(%dma_start3A_60 : memref<12608x128xf32, #tpu.memory_space<hbm>>) target(%dma_start3A_55 : memref<128x128xf32, #tpu.memory_space<vmem>>) offsets(%dma_start3A_57 : memref<128xi32, #tpu.memory_space<vmem>>) semaphore(%arg11 : memref<!tpu.dma_semaphore, #tpu.memory_space<semaphore_mem>>)
    %dma_wait3A_61 = arith.constant 0 : i32
    %dma_wait3A_62 = arith.constant 0 : i32
    %dma_wait3A_63 = tpu.memref_slice %arg7[%dma_wait3A_61, %dma_wait3A_62] : memref<480x128xf32, #tpu.memory_space<vmem>> -> memref<128x128xf32, #tpu.memory_space<vmem>>
    %dma_wait3A_64 = arith.constant 0 : i32
    %dma_wait3A_65 = arith.constant 0 : i32
    %dma_wait3A_66 = tpu.memref_slice %arg2[%dma_wait3A_64, %dma_wait3A_65] : memref<12608x128xf32, #tpu.memory_space<hbm>> -> memref<128x128xf32, #tpu.memory_space<hbm>>
    %dma_wait3A_67 = arith.constant 0 : i32
    %dma_wait3A_68 = arith.constant 0 : i32
    %dma_wait3A_69 = tpu.memref_slice %arg7[%dma_wait3A_67, %dma_wait3A_68] : memref<480x128xf32, #tpu.memory_space<vmem>> -> memref<128x128xf32, #tpu.memory_space<vmem>>
    %dma_wait3A_70 = arith.constant 0 : i32
    %dma_wait3A_71 = arith.constant 0 : i32
    %dma_wait3A_72 = tpu.memref_slice %arg2[%dma_wait3A_70, %dma_wait3A_71] : memref<12608x128xf32, #tpu.memory_space<hbm>> -> memref<128x128xf32, #tpu.memory_space<hbm>>
    tpu.wait_dma2 semaphore(%arg11 : memref<!tpu.dma_semaphore, #tpu.memory_space<semaphore_mem>>) src(%dma_wait3A_72 : memref<128x128xf32, #tpu.memory_space<hbm>>) dst(%dma_wait3A_69 : memref<128x128xf32, #tpu.memory_space<vmem>>)
    %dma_wait3A_73 = arith.constant 0 : i32
    %dma_wait3A_74 = arith.constant 0 : i32
    %dma_wait3A_75 = tpu.memref_slice %arg8[%dma_wait3A_73, %dma_wait3A_74] : memref<480x128xf32, #tpu.memory_space<vmem>> -> memref<480x128xf32, #tpu.memory_space<vmem>>
    %dma_wait3A_76 = arith.constant 0 : i32
    %dma_wait3A_77 = arith.constant 0 : i32
    %dma_wait3A_78 = tpu.memref_slice %arg4[%dma_wait3A_76, %dma_wait3A_77] : memref<403456x128xf32, #tpu.memory_space<hbm>> -> memref<480x128xf32, #tpu.memory_space<hbm>>
    %dma_wait3A_79 = arith.constant 0 : i32
    %dma_wait3A_80 = arith.constant 0 : i32
    %dma_wait3A_81 = tpu.memref_slice %arg4[%dma_wait3A_79, %dma_wait3A_80] : memref<403456x128xf32, #tpu.memory_space<hbm>> -> memref<480x128xf32, #tpu.memory_space<hbm>>
    %dma_wait3A_82 = arith.constant 0 : i32
    %dma_wait3A_83 = arith.constant 0 : i32
    %dma_wait3A_84 = tpu.memref_slice %arg8[%dma_wait3A_82, %dma_wait3A_83] : memref<480x128xf32, #tpu.memory_space<vmem>> -> memref<480x128xf32, #tpu.memory_space<vmem>>
    tpu.wait_dma2 semaphore(%arg14 : memref<!tpu.dma_semaphore, #tpu.memory_space<semaphore_mem>>) src(%dma_wait3A_84 : memref<480x128xf32, #tpu.memory_space<vmem>>) dst(%dma_wait3A_81 : memref<480x128xf32, #tpu.memory_space<hbm>>)
    %add3A_85 = arith.constant 12480 : i32
    %add3A_86 = arith.addi %mul3A_2, %add3A_85 : i32
    %dma_start3A_87 = arith.constant 0 : i32
    %dma_start3A_88 = arith.constant 0 : i32
    %dma_start3A_89 = tpu.memref_slice %arg7[%dma_start3A_87, %dma_start3A_88] : memref<480x128xf32, #tpu.memory_space<vmem>> -> memref<128x128xf32, #tpu.memory_space<vmem>>
    %dma_start3A_90 = arith.constant 0 : i32
    %dma_start3A_91 = tpu.memref_slice %arg4[%add3A_86, %dma_start3A_90] : memref<403456x128xf32, #tpu.memory_space<hbm>> -> memref<128x128xf32, #tpu.memory_space<hbm>>
    %dma_start3A_92 = arith.constant 0 : i32
    %dma_start3A_93 = tpu.memref_slice %arg4[%add3A_86, %dma_start3A_92] : memref<403456x128xf32, #tpu.memory_space<hbm>> -> memref<128x128xf32, #tpu.memory_space<hbm>>
    %dma_start3A_94 = arith.constant 0 : i32
    %dma_start3A_95 = arith.constant 0 : i32
    %dma_start3A_96 = tpu.memref_slice %arg7[%dma_start3A_94, %dma_start3A_95] : memref<480x128xf32, #tpu.memory_space<vmem>> -> memref<128x128xf32, #tpu.memory_space<vmem>>
    tpu.enqueue_dma source(%dma_start3A_96 : memref<128x128xf32, #tpu.memory_space<vmem>>) target(%dma_start3A_93 : memref<128x128xf32, #tpu.memory_space<hbm>>) target_semaphore(%arg13 : memref<!tpu.dma_semaphore, #tpu.memory_space<semaphore_mem>>)
    %dma_wait3A_97 = arith.constant 0 : i32
    %dma_wait3A_98 = arith.constant 0 : i32
    %dma_wait3A_99 = tpu.memref_slice %arg7[%dma_wait3A_97, %dma_wait3A_98] : memref<480x128xf32, #tpu.memory_space<vmem>> -> memref<128x128xf32, #tpu.memory_space<vmem>>
    %dma_wait3A_100 = arith.constant 0 : i32
    %dma_wait3A_101 = arith.constant 0 : i32
    %dma_wait3A_102 = tpu.memref_slice %arg4[%dma_wait3A_100, %dma_wait3A_101] : memref<403456x128xf32, #tpu.memory_space<hbm>> -> memref<128x128xf32, #tpu.memory_space<hbm>>
    %dma_wait3A_103 = arith.constant 0 : i32
    %dma_wait3A_104 = arith.constant 0 : i32
    %dma_wait3A_105 = tpu.memref_slice %arg4[%dma_wait3A_103, %dma_wait3A_104] : memref<403456x128xf32, #tpu.memory_space<hbm>> -> memref<128x128xf32, #tpu.memory_space<hbm>>
    %dma_wait3A_106 = arith.constant 0 : i32
    %dma_wait3A_107 = arith.constant 0 : i32
    %dma_wait3A_108 = tpu.memref_slice %arg7[%dma_wait3A_106, %dma_wait3A_107] : memref<480x128xf32, #tpu.memory_space<vmem>> -> memref<128x128xf32, #tpu.memory_space<vmem>>
    tpu.wait_dma2 semaphore(%arg13 : memref<!tpu.dma_semaphore, #tpu.memory_space<semaphore_mem>>) src(%dma_wait3A_108 : memref<128x128xf32, #tpu.memory_space<vmem>>) dst(%dma_wait3A_105 : memref<128x128xf32, #tpu.memory_space<hbm>>)
    return
  }
}

#map = affine_map<(d0, d1) -> (0, 0)>
#map1 = affine_map<(d0, d1) -> (0)>
module attributes {stable_mosaic.version = 14 : i64} {
  func.func @run(%arg0: i32, %arg1: i32, %arg2: memref<12608x128xf32, #tpu.memory_space<hbm>>, %arg3: memref<806912xi32, #tpu.memory_space<hbm>>, %arg4: memref<403456x128xf32, #tpu.memory_space<hbm>>, %arg5: memref<480xi32, #tpu.memory_space<vmem>>, %arg6: memref<480xi32, #tpu.memory_space<vmem>>, %arg7: memref<480x128xf32, #tpu.memory_space<vmem>>, %arg8: memref<480x128xf32, #tpu.memory_space<vmem>>, %arg9: memref<!tpu.dma_semaphore, #tpu.memory_space<semaphore_mem>>, %arg10: memref<!tpu.dma_semaphore, #tpu.memory_space<semaphore_mem>>, %arg11: memref<!tpu.dma_semaphore, #tpu.memory_space<semaphore_mem>>, %arg12: memref<!tpu.dma_semaphore, #tpu.memory_space<semaphore_mem>>, %arg13: memref<!tpu.dma_semaphore, #tpu.memory_space<semaphore_mem>>, %arg14: memref<!tpu.dma_semaphore, #tpu.memory_space<semaphore_mem>>) attributes {dimension_semantics = [#tpu.dimension_semantics<core_parallel>, #tpu.dimension_semantics<subcore_parallel>], iteration_bounds = array<i64: 2, 16>, scalar_prefetch = 0 : i64, scratch_operands = 10 : i64, tpu.core_type = #tpu.core_type<sc_vector_subcore>, window_params = [{transform_indices = #map}, {transform_indices = #map1}, {transform_indices = #map}]} {
    %mul3A = arith.constant 2 : i32
    %mul3A_0 = arith.muli %arg1, %mul3A : i32
    %add3A = arith.addi %mul3A_0, %arg0 : i32
    %mul3A_1 = arith.constant 12608 : i32
    %mul3A_2 = arith.muli %add3A, %mul3A_1 : i32
    %mul3A_3 = arith.constant 12608 : i32
    %mul3A_4 = arith.muli %add3A, %mul3A_3 : i32
    %add3A_5 = arith.constant 0 : i32
    %add3A_6 = arith.addi %add3A_5, %mul3A_4 : i32
    %add3A_7 = arith.constant 0 : i32
    %add3A_8 = arith.addi %add3A_6, %add3A_7 : i32
    %dma_start3A = arith.constant 0 : i32
    %dma_start3A_9 = tpu.memref_slice %arg5[%dma_start3A] : memref<480xi32, #tpu.memory_space<vmem>> -> memref<480xi32, #tpu.memory_space<vmem>>
    %dma_start3A_10 = tpu.memref_slice %arg3[%add3A_8] : memref<806912xi32, #tpu.memory_space<hbm>> -> memref<480xi32, #tpu.memory_space<hbm>>
    %dma_start3A_11 = arith.constant 0 : i32
    %dma_start3A_12 = tpu.memref_slice %arg5[%dma_start3A_11] : memref<480xi32, #tpu.memory_space<vmem>> -> memref<480xi32, #tpu.memory_space<vmem>>
    %dma_start3A_13 = tpu.memref_slice %arg3[%add3A_8] : memref<806912xi32, #tpu.memory_space<hbm>> -> memref<480xi32, #tpu.memory_space<hbm>>
    tpu.enqueue_dma source(%dma_start3A_13 : memref<480xi32, #tpu.memory_space<hbm>>) target(%dma_start3A_12 : memref<480xi32, #tpu.memory_space<vmem>>) target_semaphore(%arg9 : memref<!tpu.dma_semaphore, #tpu.memory_space<semaphore_mem>>)
    %add3A_14 = arith.constant 480 : i32
    %add3A_15 = arith.addi %add3A_6, %add3A_14 : i32
    %dma_start3A_16 = arith.constant 0 : i32
    %dma_start3A_17 = tpu.memref_slice %arg6[%dma_start3A_16] : memref<480xi32, #tpu.memory_space<vmem>> -> memref<480xi32, #tpu.memory_space<vmem>>
    %dma_start3A_18 = tpu.memref_slice %arg3[%add3A_15] : memref<806912xi32, #tpu.memory_space<hbm>> -> memref<480xi32, #tpu.memory_space<hbm>>
    %dma_start3A_19 = arith.constant 0 : i32
    %dma_start3A_20 = tpu.memref_slice %arg6[%dma_start3A_19] : memref<480xi32, #tpu.memory_space<vmem>> -> memref<480xi32, #tpu.memory_space<vmem>>
    %dma_start3A_21 = tpu.memref_slice %arg3[%add3A_15] : memref<806912xi32, #tpu.memory_space<hbm>> -> memref<480xi32, #tpu.memory_space<hbm>>
    tpu.enqueue_dma source(%dma_start3A_21 : memref<480xi32, #tpu.memory_space<hbm>>) target(%dma_start3A_20 : memref<480xi32, #tpu.memory_space<vmem>>) target_semaphore(%arg10 : memref<!tpu.dma_semaphore, #tpu.memory_space<semaphore_mem>>)
    %scan3A = arith.constant 0 : i32
    %scan3A_22 = arith.constant 13 : i32
    %scan3A_23 = arith.addi %scan3A, %scan3A_22 : i32
    %scan3A_24 = arith.constant 1 : i32
    scf.for %scan3A_109 = %scan3A to %scan3A_23 step %scan3A_24  : i32 {
      %mul3A_110 = arith.constant 2 : i32
      %mul3A_111 = arith.muli %scan3A_109, %mul3A_110 : i32
      %add3A_112 = arith.constant 0 : i32
      %add3A_113 = arith.addi %add3A_112, %mul3A_111 : i32
      %add3A_114 = arith.constant 0 : i32
      %add3A_115 = arith.addi %add3A_113, %add3A_114 : i32
      %dma_wait3A_116 = arith.constant 0 : i32
      %dma_wait3A_117 = tpu.memref_slice %arg5[%dma_wait3A_116] : memref<480xi32, #tpu.memory_space<vmem>> -> memref<480xi32, #tpu.memory_space<vmem>>
      %dma_wait3A_118 = arith.constant 0 : i32
      %dma_wait3A_119 = tpu.memref_slice %arg3[%dma_wait3A_118] : memref<806912xi32, #tpu.memory_space<hbm>> -> memref<480xi32, #tpu.memory_space<hbm>>
      %dma_wait3A_120 = arith.constant 0 : i32
      %dma_wait3A_121 = tpu.memref_slice %arg5[%dma_wait3A_120] : memref<480xi32, #tpu.memory_space<vmem>> -> memref<480xi32, #tpu.memory_space<vmem>>
      %dma_wait3A_122 = arith.constant 0 : i32
      %dma_wait3A_123 = tpu.memref_slice %arg3[%dma_wait3A_122] : memref<806912xi32, #tpu.memory_space<hbm>> -> memref<480xi32, #tpu.memory_space<hbm>>
      tpu.wait_dma2 semaphore(%arg9 : memref<!tpu.dma_semaphore, #tpu.memory_space<semaphore_mem>>) src(%dma_wait3A_123 : memref<480xi32, #tpu.memory_space<hbm>>) dst(%dma_wait3A_121 : memref<480xi32, #tpu.memory_space<vmem>>)
      %ge3A = arith.constant 2 : i32
      %ge3A_124 = arith.cmpi sge, %add3A_115, %ge3A : i32
      %convert_element_type3A = arith.extui %ge3A_124 : i1 to i32
      %cond3A = arith.constant 0 : i32
      %cond3A_125 = arith.cmpi ne, %convert_element_type3A, %cond3A : i32
      scf.if %cond3A_125 {
        %dma_wait3A_268 = arith.constant 0 : i32
        %dma_wait3A_269 = arith.constant 0 : i32
        %dma_wait3A_270 = tpu.memref_slice %arg7[%dma_wait3A_268, %dma_wait3A_269] : memref<480x128xf32, #tpu.memory_space<vmem>> -> memref<480x128xf32, #tpu.memory_space<vmem>>
        %dma_wait3A_271 = arith.constant 0 : i32
        %dma_wait3A_272 = arith.constant 0 : i32
        %dma_wait3A_273 = tpu.memref_slice %arg4[%dma_wait3A_271, %dma_wait3A_272] : memref<403456x128xf32, #tpu.memory_space<hbm>> -> memref<480x128xf32, #tpu.memory_space<hbm>>
        %dma_wait3A_274 = arith.constant 0 : i32
        %dma_wait3A_275 = arith.constant 0 : i32
        %dma_wait3A_276 = tpu.memref_slice %arg4[%dma_wait3A_274, %dma_wait3A_275] : memref<403456x128xf32, #tpu.memory_space<hbm>> -> memref<480x128xf32, #tpu.memory_space<hbm>>
        %dma_wait3A_277 = arith.constant 0 : i32
        %dma_wait3A_278 = arith.constant 0 : i32
        %dma_wait3A_279 = tpu.memref_slice %arg7[%dma_wait3A_277, %dma_wait3A_278] : memref<480x128xf32, #tpu.memory_space<vmem>> -> memref<480x128xf32, #tpu.memory_space<vmem>>
        tpu.wait_dma2 semaphore(%arg13 : memref<!tpu.dma_semaphore, #tpu.memory_space<semaphore_mem>>) src(%dma_wait3A_279 : memref<480x128xf32, #tpu.memory_space<vmem>>) dst(%dma_wait3A_276 : memref<480x128xf32, #tpu.memory_space<hbm>>)
      } else {
      }
      %dma_start3A_126 = arith.constant 0 : i32
      %dma_start3A_127 = arith.constant 0 : i32
      %dma_start3A_128 = tpu.memref_slice %arg7[%dma_start3A_126, %dma_start3A_127] : memref<480x128xf32, #tpu.memory_space<vmem>> -> memref<128x128xf32, #tpu.memory_space<vmem>>
      %dma_start3A_129 = arith.constant 0 : i32
      %dma_start3A_130 = tpu.memref_slice %arg5[%dma_start3A_129] : memref<480xi32, #tpu.memory_space<vmem>> -> memref<128xi32, #tpu.memory_space<vmem>>
      %dma_start3A_131 = arith.constant 0 : i32
      %dma_start3A_132 = arith.constant 0 : i32
      %dma_start3A_133 = tpu.memref_slice %arg2[%dma_start3A_131, %dma_start3A_132] : memref<12608x128xf32, #tpu.memory_space<hbm>> -> memref<12608x128xf32, #tpu.memory_space<hbm>>
      tpu.enqueue_indirect_dma source(%dma_start3A_133 : memref<12608x128xf32, #tpu.memory_space<hbm>>) target(%dma_start3A_128 : memref<128x128xf32, #tpu.memory_space<vmem>>) offsets(%dma_start3A_130 : memref<128xi32, #tpu.memory_space<vmem>>) semaphore(%arg11 : memref<!tpu.dma_semaphore, #tpu.memory_space<semaphore_mem>>)
      %dma_start3A_134 = arith.constant 128 : i32
      %dma_start3A_135 = arith.constant 0 : i32
      %dma_start3A_136 = tpu.memref_slice %arg7[%dma_start3A_134, %dma_start3A_135] : memref<480x128xf32, #tpu.memory_space<vmem>> -> memref<128x128xf32, #tpu.memory_space<vmem>>
      %dma_start3A_137 = arith.constant 128 : i32
      %dma_start3A_138 = tpu.memref_slice %arg5[%dma_start3A_137] : memref<480xi32, #tpu.memory_space<vmem>> -> memref<128xi32, #tpu.memory_space<vmem>>
      %dma_start3A_139 = arith.constant 0 : i32
      %dma_start3A_140 = arith.constant 0 : i32
      %dma_start3A_141 = tpu.memref_slice %arg2[%dma_start3A_139, %dma_start3A_140] : memref<12608x128xf32, #tpu.memory_space<hbm>> -> memref<12608x128xf32, #tpu.memory_space<hbm>>
      tpu.enqueue_indirect_dma source(%dma_start3A_141 : memref<12608x128xf32, #tpu.memory_space<hbm>>) target(%dma_start3A_136 : memref<128x128xf32, #tpu.memory_space<vmem>>) offsets(%dma_start3A_138 : memref<128xi32, #tpu.memory_space<vmem>>) semaphore(%arg11 : memref<!tpu.dma_semaphore, #tpu.memory_space<semaphore_mem>>)
      %dma_start3A_142 = arith.constant 256 : i32
      %dma_start3A_143 = arith.constant 0 : i32
      %dma_start3A_144 = tpu.memref_slice %arg7[%dma_start3A_142, %dma_start3A_143] : memref<480x128xf32, #tpu.memory_space<vmem>> -> memref<128x128xf32, #tpu.memory_space<vmem>>
      %dma_start3A_145 = arith.constant 256 : i32
      %dma_start3A_146 = tpu.memref_slice %arg5[%dma_start3A_145] : memref<480xi32, #tpu.memory_space<vmem>> -> memref<128xi32, #tpu.memory_space<vmem>>
      %dma_start3A_147 = arith.constant 0 : i32
      %dma_start3A_148 = arith.constant 0 : i32
      %dma_start3A_149 = tpu.memref_slice %arg2[%dma_start3A_147, %dma_start3A_148] : memref<12608x128xf32, #tpu.memory_space<hbm>> -> memref<12608x128xf32, #tpu.memory_space<hbm>>
      tpu.enqueue_indirect_dma source(%dma_start3A_149 : memref<12608x128xf32, #tpu.memory_space<hbm>>) target(%dma_start3A_144 : memref<128x128xf32, #tpu.memory_space<vmem>>) offsets(%dma_start3A_146 : memref<128xi32, #tpu.memory_space<vmem>>) semaphore(%arg11 : memref<!tpu.dma_semaphore, #tpu.memory_space<semaphore_mem>>)
      %dma_start3A_150 = arith.constant 384 : i32
      %dma_start3A_151 = arith.constant 0 : i32
      %dma_start3A_152 = tpu.memref_slice %arg7[%dma_start3A_150, %dma_start3A_151] : memref<480x128xf32, #tpu.memory_space<vmem>> -> memref<96x128xf32, #tpu.memory_space<vmem>>
      %dma_start3A_153 = arith.constant 384 : i32
      %dma_start3A_154 = tpu.memref_slice %arg5[%dma_start3A_153] : memref<480xi32, #tpu.memory_space<vmem>> -> memref<96xi32, #tpu.memory_space<vmem>>
      %dma_start3A_155 = arith.constant 0 : i32
      %dma_start3A_156 = arith.constant 0 : i32
      %dma_start3A_157 = tpu.memref_slice %arg2[%dma_start3A_155, %dma_start3A_156] : memref<12608x128xf32, #tpu.memory_space<hbm>> -> memref<12608x128xf32, #tpu.memory_space<hbm>>
      tpu.enqueue_indirect_dma source(%dma_start3A_157 : memref<12608x128xf32, #tpu.memory_space<hbm>>) target(%dma_start3A_152 : memref<96x128xf32, #tpu.memory_space<vmem>>) offsets(%dma_start3A_154 : memref<96xi32, #tpu.memory_space<vmem>>) semaphore(%arg11 : memref<!tpu.dma_semaphore, #tpu.memory_space<semaphore_mem>>)
      %dma_wait3A_158 = arith.constant 0 : i32
      %dma_wait3A_159 = arith.constant 0 : i32
      %dma_wait3A_160 = tpu.memref_slice %arg7[%dma_wait3A_158, %dma_wait3A_159] : memref<480x128xf32, #tpu.memory_space<vmem>> -> memref<480x128xf32, #tpu.memory_space<vmem>>
      %dma_wait3A_161 = arith.constant 0 : i32
      %dma_wait3A_162 = arith.constant 0 : i32
      %dma_wait3A_163 = tpu.memref_slice %arg2[%dma_wait3A_161, %dma_wait3A_162] : memref<12608x128xf32, #tpu.memory_space<hbm>> -> memref<480x128xf32, #tpu.memory_space<hbm>>
      %dma_wait3A_164 = arith.constant 0 : i32
      %dma_wait3A_165 = arith.constant 0 : i32
      %dma_wait3A_166 = tpu.memref_slice %arg7[%dma_wait3A_164, %dma_wait3A_165] : memref<480x128xf32, #tpu.memory_space<vmem>> -> memref<480x128xf32, #tpu.memory_space<vmem>>
      %dma_wait3A_167 = arith.constant 0 : i32
      %dma_wait3A_168 = arith.constant 0 : i32
      %dma_wait3A_169 = tpu.memref_slice %arg2[%dma_wait3A_167, %dma_wait3A_168] : memref<12608x128xf32, #tpu.memory_space<hbm>> -> memref<480x128xf32, #tpu.memory_space<hbm>>
      tpu.wait_dma2 semaphore(%arg11 : memref<!tpu.dma_semaphore, #tpu.memory_space<semaphore_mem>>) src(%dma_wait3A_169 : memref<480x128xf32, #tpu.memory_space<hbm>>) dst(%dma_wait3A_166 : memref<480x128xf32, #tpu.memory_space<vmem>>)
      %add3A_170 = arith.constant 2 : i32
      %add3A_171 = arith.addi %add3A_115, %add3A_170 : i32
      %lt3A = arith.constant 26 : i32
      %lt3A_172 = arith.cmpi slt, %add3A_171, %lt3A : i32
      %convert_element_type3A_173 = arith.extui %lt3A_172 : i1 to i32
      %cond3A_174 = arith.constant 0 : i32
      %cond3A_175 = arith.cmpi ne, %convert_element_type3A_173, %cond3A_174 : i32
      scf.if %cond3A_175 {
        %add3A_268 = arith.constant 2 : i32
        %add3A_269 = arith.addi %add3A_115, %add3A_268 : i32
        %mul3A_270 = arith.constant 480 : i32
        %mul3A_271 = arith.muli %add3A_269, %mul3A_270 : i32
        %add3A_272 = arith.addi %add3A_6, %mul3A_271 : i32
        %dma_start3A_273 = arith.constant 0 : i32
        %dma_start3A_274 = tpu.memref_slice %arg5[%dma_start3A_273] : memref<480xi32, #tpu.memory_space<vmem>> -> memref<480xi32, #tpu.memory_space<vmem>>
        %dma_start3A_275 = tpu.memref_slice %arg3[%add3A_272] : memref<806912xi32, #tpu.memory_space<hbm>> -> memref<480xi32, #tpu.memory_space<hbm>>
        %dma_start3A_276 = arith.constant 0 : i32
        %dma_start3A_277 = tpu.memref_slice %arg5[%dma_start3A_276] : memref<480xi32, #tpu.memory_space<vmem>> -> memref<480xi32, #tpu.memory_space<vmem>>
        %dma_start3A_278 = tpu.memref_slice %arg3[%add3A_272] : memref<806912xi32, #tpu.memory_space<hbm>> -> memref<480xi32, #tpu.memory_space<hbm>>
        tpu.enqueue_dma source(%dma_start3A_278 : memref<480xi32, #tpu.memory_space<hbm>>) target(%dma_start3A_277 : memref<480xi32, #tpu.memory_space<vmem>>) target_semaphore(%arg9 : memref<!tpu.dma_semaphore, #tpu.memory_space<semaphore_mem>>)
      } else {
      }
      %mul3A_176 = arith.constant 480 : i32
      %mul3A_177 = arith.muli %add3A_115, %mul3A_176 : i32
      %add3A_178 = arith.addi %mul3A_2, %mul3A_177 : i32
      %dma_start3A_179 = arith.constant 0 : i32
      %dma_start3A_180 = arith.constant 0 : i32
      %dma_start3A_181 = tpu.memref_slice %arg7[%dma_start3A_179, %dma_start3A_180] : memref<480x128xf32, #tpu.memory_space<vmem>> -> memref<480x128xf32, #tpu.memory_space<vmem>>
      %dma_start3A_182 = arith.constant 0 : i32
      %dma_start3A_183 = tpu.memref_slice %arg4[%add3A_178, %dma_start3A_182] : memref<403456x128xf32, #tpu.memory_space<hbm>> -> memref<480x128xf32, #tpu.memory_space<hbm>>
      %dma_start3A_184 = arith.constant 0 : i32
      %dma_start3A_185 = tpu.memref_slice %arg4[%add3A_178, %dma_start3A_184] : memref<403456x128xf32, #tpu.memory_space<hbm>> -> memref<480x128xf32, #tpu.memory_space<hbm>>
      %dma_start3A_186 = arith.constant 0 : i32
      %dma_start3A_187 = arith.constant 0 : i32
      %dma_start3A_188 = tpu.memref_slice %arg7[%dma_start3A_186, %dma_start3A_187] : memref<480x128xf32, #tpu.memory_space<vmem>> -> memref<480x128xf32, #tpu.memory_space<vmem>>
      tpu.enqueue_dma source(%dma_start3A_188 : memref<480x128xf32, #tpu.memory_space<vmem>>) target(%dma_start3A_185 : memref<480x128xf32, #tpu.memory_space<hbm>>) target_semaphore(%arg13 : memref<!tpu.dma_semaphore, #tpu.memory_space<semaphore_mem>>)
      %add3A_189 = arith.constant 1 : i32
      %add3A_190 = arith.addi %add3A_113, %add3A_189 : i32
      %dma_wait3A_191 = arith.constant 0 : i32
      %dma_wait3A_192 = tpu.memref_slice %arg6[%dma_wait3A_191] : memref<480xi32, #tpu.memory_space<vmem>> -> memref<480xi32, #tpu.memory_space<vmem>>
      %dma_wait3A_193 = arith.constant 0 : i32
      %dma_wait3A_194 = tpu.memref_slice %arg3[%dma_wait3A_193] : memref<806912xi32, #tpu.memory_space<hbm>> -> memref<480xi32, #tpu.memory_space<hbm>>
      %dma_wait3A_195 = arith.constant 0 : i32
      %dma_wait3A_196 = tpu.memref_slice %arg6[%dma_wait3A_195] : memref<480xi32, #tpu.memory_space<vmem>> -> memref<480xi32, #tpu.memory_space<vmem>>
      %dma_wait3A_197 = arith.constant 0 : i32
      %dma_wait3A_198 = tpu.memref_slice %arg3[%dma_wait3A_197] : memref<806912xi32, #tpu.memory_space<hbm>> -> memref<480xi32, #tpu.memory_space<hbm>>
      tpu.wait_dma2 semaphore(%arg10 : memref<!tpu.dma_semaphore, #tpu.memory_space<semaphore_mem>>) src(%dma_wait3A_198 : memref<480xi32, #tpu.memory_space<hbm>>) dst(%dma_wait3A_196 : memref<480xi32, #tpu.memory_space<vmem>>)
      %ge3A_199 = arith.constant 2 : i32
      %ge3A_200 = arith.cmpi sge, %add3A_190, %ge3A_199 : i32
      %convert_element_type3A_201 = arith.extui %ge3A_200 : i1 to i32
      %cond3A_202 = arith.constant 0 : i32
      %cond3A_203 = arith.cmpi ne, %convert_element_type3A_201, %cond3A_202 : i32
      scf.if %cond3A_203 {
        %dma_wait3A_268 = arith.constant 0 : i32
        %dma_wait3A_269 = arith.constant 0 : i32
        %dma_wait3A_270 = tpu.memref_slice %arg8[%dma_wait3A_268, %dma_wait3A_269] : memref<480x128xf32, #tpu.memory_space<vmem>> -> memref<480x128xf32, #tpu.memory_space<vmem>>
        %dma_wait3A_271 = arith.constant 0 : i32
        %dma_wait3A_272 = arith.constant 0 : i32
        %dma_wait3A_273 = tpu.memref_slice %arg4[%dma_wait3A_271, %dma_wait3A_272] : memref<403456x128xf32, #tpu.memory_space<hbm>> -> memref<480x128xf32, #tpu.memory_space<hbm>>
        %dma_wait3A_274 = arith.constant 0 : i32
        %dma_wait3A_275 = arith.constant 0 : i32
        %dma_wait3A_276 = tpu.memref_slice %arg4[%dma_wait3A_274, %dma_wait3A_275] : memref<403456x128xf32, #tpu.memory_space<hbm>> -> memref<480x128xf32, #tpu.memory_space<hbm>>
        %dma_wait3A_277 = arith.constant 0 : i32
        %dma_wait3A_278 = arith.constant 0 : i32
        %dma_wait3A_279 = tpu.memref_slice %arg8[%dma_wait3A_277, %dma_wait3A_278] : memref<480x128xf32, #tpu.memory_space<vmem>> -> memref<480x128xf32, #tpu.memory_space<vmem>>
        tpu.wait_dma2 semaphore(%arg14 : memref<!tpu.dma_semaphore, #tpu.memory_space<semaphore_mem>>) src(%dma_wait3A_279 : memref<480x128xf32, #tpu.memory_space<vmem>>) dst(%dma_wait3A_276 : memref<480x128xf32, #tpu.memory_space<hbm>>)
      } else {
      }
      %dma_start3A_204 = arith.constant 0 : i32
      %dma_start3A_205 = arith.constant 0 : i32
      %dma_start3A_206 = tpu.memref_slice %arg8[%dma_start3A_204, %dma_start3A_205] : memref<480x128xf32, #tpu.memory_space<vmem>> -> memref<128x128xf32, #tpu.memory_space<vmem>>
      %dma_start3A_207 = arith.constant 0 : i32
      %dma_start3A_208 = tpu.memref_slice %arg6[%dma_start3A_207] : memref<480xi32, #tpu.memory_space<vmem>> -> memref<128xi32, #tpu.memory_space<vmem>>
      %dma_start3A_209 = arith.constant 0 : i32
      %dma_start3A_210 = arith.constant 0 : i32
      %dma_start3A_211 = tpu.memref_slice %arg2[%dma_start3A_209, %dma_start3A_210] : memref<12608x128xf32, #tpu.memory_space<hbm>> -> memref<12608x128xf32, #tpu.memory_space<hbm>>
      tpu.enqueue_indirect_dma source(%dma_start3A_211 : memref<12608x128xf32, #tpu.memory_space<hbm>>) target(%dma_start3A_206 : memref<128x128xf32, #tpu.memory_space<vmem>>) offsets(%dma_start3A_208 : memref<128xi32, #tpu.memory_space<vmem>>) semaphore(%arg12 : memref<!tpu.dma_semaphore, #tpu.memory_space<semaphore_mem>>)
      %dma_start3A_212 = arith.constant 128 : i32
      %dma_start3A_213 = arith.constant 0 : i32
      %dma_start3A_214 = tpu.memref_slice %arg8[%dma_start3A_212, %dma_start3A_213] : memref<480x128xf32, #tpu.memory_space<vmem>> -> memref<128x128xf32, #tpu.memory_space<vmem>>
      %dma_start3A_215 = arith.constant 128 : i32
      %dma_start3A_216 = tpu.memref_slice %arg6[%dma_start3A_215] : memref<480xi32, #tpu.memory_space<vmem>> -> memref<128xi32, #tpu.memory_space<vmem>>
      %dma_start3A_217 = arith.constant 0 : i32
      %dma_start3A_218 = arith.constant 0 : i32
      %dma_start3A_219 = tpu.memref_slice %arg2[%dma_start3A_217, %dma_start3A_218] : memref<12608x128xf32, #tpu.memory_space<hbm>> -> memref<12608x128xf32, #tpu.memory_space<hbm>>
      tpu.enqueue_indirect_dma source(%dma_start3A_219 : memref<12608x128xf32, #tpu.memory_space<hbm>>) target(%dma_start3A_214 : memref<128x128xf32, #tpu.memory_space<vmem>>) offsets(%dma_start3A_216 : memref<128xi32, #tpu.memory_space<vmem>>) semaphore(%arg12 : memref<!tpu.dma_semaphore, #tpu.memory_space<semaphore_mem>>)
      %dma_start3A_220 = arith.constant 256 : i32
      %dma_start3A_221 = arith.constant 0 : i32
      %dma_start3A_222 = tpu.memref_slice %arg8[%dma_start3A_220, %dma_start3A_221] : memref<480x128xf32, #tpu.memory_space<vmem>> -> memref<128x128xf32, #tpu.memory_space<vmem>>
      %dma_start3A_223 = arith.constant 256 : i32
      %dma_start3A_224 = tpu.memref_slice %arg6[%dma_start3A_223] : memref<480xi32, #tpu.memory_space<vmem>> -> memref<128xi32, #tpu.memory_space<vmem>>
      %dma_start3A_225 = arith.constant 0 : i32
      %dma_start3A_226 = arith.constant 0 : i32
      %dma_start3A_227 = tpu.memref_slice %arg2[%dma_start3A_225, %dma_start3A_226] : memref<12608x128xf32, #tpu.memory_space<hbm>> -> memref<12608x128xf32, #tpu.memory_space<hbm>>
      tpu.enqueue_indirect_dma source(%dma_start3A_227 : memref<12608x128xf32, #tpu.memory_space<hbm>>) target(%dma_start3A_222 : memref<128x128xf32, #tpu.memory_space<vmem>>) offsets(%dma_start3A_224 : memref<128xi32, #tpu.memory_space<vmem>>) semaphore(%arg12 : memref<!tpu.dma_semaphore, #tpu.memory_space<semaphore_mem>>)
      %dma_start3A_228 = arith.constant 384 : i32
      %dma_start3A_229 = arith.constant 0 : i32
      %dma_start3A_230 = tpu.memref_slice %arg8[%dma_start3A_228, %dma_start3A_229] : memref<480x128xf32, #tpu.memory_space<vmem>> -> memref<96x128xf32, #tpu.memory_space<vmem>>
      %dma_start3A_231 = arith.constant 384 : i32
      %dma_start3A_232 = tpu.memref_slice %arg6[%dma_start3A_231] : memref<480xi32, #tpu.memory_space<vmem>> -> memref<96xi32, #tpu.memory_space<vmem>>
      %dma_start3A_233 = arith.constant 0 : i32
      %dma_start3A_234 = arith.constant 0 : i32
      %dma_start3A_235 = tpu.memref_slice %arg2[%dma_start3A_233, %dma_start3A_234] : memref<12608x128xf32, #tpu.memory_space<hbm>> -> memref<12608x128xf32, #tpu.memory_space<hbm>>
      tpu.enqueue_indirect_dma source(%dma_start3A_235 : memref<12608x128xf32, #tpu.memory_space<hbm>>) target(%dma_start3A_230 : memref<96x128xf32, #tpu.memory_space<vmem>>) offsets(%dma_start3A_232 : memref<96xi32, #tpu.memory_space<vmem>>) semaphore(%arg12 : memref<!tpu.dma_semaphore, #tpu.memory_space<semaphore_mem>>)
      %dma_wait3A_236 = arith.constant 0 : i32
      %dma_wait3A_237 = arith.constant 0 : i32
      %dma_wait3A_238 = tpu.memref_slice %arg8[%dma_wait3A_236, %dma_wait3A_237] : memref<480x128xf32, #tpu.memory_space<vmem>> -> memref<480x128xf32, #tpu.memory_space<vmem>>
      %dma_wait3A_239 = arith.constant 0 : i32
      %dma_wait3A_240 = arith.constant 0 : i32
      %dma_wait3A_241 = tpu.memref_slice %arg2[%dma_wait3A_239, %dma_wait3A_240] : memref<12608x128xf32, #tpu.memory_space<hbm>> -> memref<480x128xf32, #tpu.memory_space<hbm>>
      %dma_wait3A_242 = arith.constant 0 : i32
      %dma_wait3A_243 = arith.constant 0 : i32
      %dma_wait3A_244 = tpu.memref_slice %arg8[%dma_wait3A_242, %dma_wait3A_243] : memref<480x128xf32, #tpu.memory_space<vmem>> -> memref<480x128xf32, #tpu.memory_space<vmem>>
      %dma_wait3A_245 = arith.constant 0 : i32
      %dma_wait3A_246 = arith.constant 0 : i32
      %dma_wait3A_247 = tpu.memref_slice %arg2[%dma_wait3A_245, %dma_wait3A_246] : memref<12608x128xf32, #tpu.memory_space<hbm>> -> memref<480x128xf32, #tpu.memory_space<hbm>>
      tpu.wait_dma2 semaphore(%arg12 : memref<!tpu.dma_semaphore, #tpu.memory_space<semaphore_mem>>) src(%dma_wait3A_247 : memref<480x128xf32, #tpu.memory_space<hbm>>) dst(%dma_wait3A_244 : memref<480x128xf32, #tpu.memory_space<vmem>>)
      %add3A_248 = arith.constant 2 : i32
      %add3A_249 = arith.addi %add3A_190, %add3A_248 : i32
      %lt3A_250 = arith.constant 26 : i32
      %lt3A_251 = arith.cmpi slt, %add3A_249, %lt3A_250 : i32
      %convert_element_type3A_252 = arith.extui %lt3A_251 : i1 to i32
      %cond3A_253 = arith.constant 0 : i32
      %cond3A_254 = arith.cmpi ne, %convert_element_type3A_252, %cond3A_253 : i32
      scf.if %cond3A_254 {
        %add3A_268 = arith.constant 2 : i32
        %add3A_269 = arith.addi %add3A_190, %add3A_268 : i32
        %mul3A_270 = arith.constant 480 : i32
        %mul3A_271 = arith.muli %add3A_269, %mul3A_270 : i32
        %add3A_272 = arith.addi %add3A_6, %mul3A_271 : i32
        %dma_start3A_273 = arith.constant 0 : i32
        %dma_start3A_274 = tpu.memref_slice %arg6[%dma_start3A_273] : memref<480xi32, #tpu.memory_space<vmem>> -> memref<480xi32, #tpu.memory_space<vmem>>
        %dma_start3A_275 = tpu.memref_slice %arg3[%add3A_272] : memref<806912xi32, #tpu.memory_space<hbm>> -> memref<480xi32, #tpu.memory_space<hbm>>
        %dma_start3A_276 = arith.constant 0 : i32
        %dma_start3A_277 = tpu.memref_slice %arg6[%dma_start3A_276] : memref<480xi32, #tpu.memory_space<vmem>> -> memref<480xi32, #tpu.memory_space<vmem>>
        %dma_start3A_278 = tpu.memref_slice %arg3[%add3A_272] : memref<806912xi32, #tpu.memory_space<hbm>> -> memref<480xi32, #tpu.memory_space<hbm>>
        tpu.enqueue_dma source(%dma_start3A_278 : memref<480xi32, #tpu.memory_space<hbm>>) target(%dma_start3A_277 : memref<480xi32, #tpu.memory_space<vmem>>) target_semaphore(%arg10 : memref<!tpu.dma_semaphore, #tpu.memory_space<semaphore_mem>>)
      } else {
      }
      %mul3A_255 = arith.constant 480 : i32
      %mul3A_256 = arith.muli %add3A_190, %mul3A_255 : i32
      %add3A_257 = arith.addi %mul3A_2, %mul3A_256 : i32
      %dma_start3A_258 = arith.constant 0 : i32
      %dma_start3A_259 = arith.constant 0 : i32
      %dma_start3A_260 = tpu.memref_slice %arg8[%dma_start3A_258, %dma_start3A_259] : memref<480x128xf32, #tpu.memory_space<vmem>> -> memref<480x128xf32, #tpu.memory_space<vmem>>
      %dma_start3A_261 = arith.constant 0 : i32
      %dma_start3A_262 = tpu.memref_slice %arg4[%add3A_257, %dma_start3A_261] : memref<403456x128xf32, #tpu.memory_space<hbm>> -> memref<480x128xf32, #tpu.memory_space<hbm>>
      %dma_start3A_263 = arith.constant 0 : i32
      %dma_start3A_264 = tpu.memref_slice %arg4[%add3A_257, %dma_start3A_263] : memref<403456x128xf32, #tpu.memory_space<hbm>> -> memref<480x128xf32, #tpu.memory_space<hbm>>
      %dma_start3A_265 = arith.constant 0 : i32
      %dma_start3A_266 = arith.constant 0 : i32
      %dma_start3A_267 = tpu.memref_slice %arg8[%dma_start3A_265, %dma_start3A_266] : memref<480x128xf32, #tpu.memory_space<vmem>> -> memref<480x128xf32, #tpu.memory_space<vmem>>
      tpu.enqueue_dma source(%dma_start3A_267 : memref<480x128xf32, #tpu.memory_space<vmem>>) target(%dma_start3A_264 : memref<480x128xf32, #tpu.memory_space<hbm>>) target_semaphore(%arg14 : memref<!tpu.dma_semaphore, #tpu.memory_space<semaphore_mem>>)
    }
    %scan3A_25 = arith.constant 13 : i32
    %add3A_26 = arith.constant 12480 : i32
    %add3A_27 = arith.addi %add3A_6, %add3A_26 : i32
    %dma_start3A_28 = arith.constant 0 : i32
    %dma_start3A_29 = tpu.memref_slice %arg5[%dma_start3A_28] : memref<480xi32, #tpu.memory_space<vmem>> -> memref<128xi32, #tpu.memory_space<vmem>>
    %dma_start3A_30 = tpu.memref_slice %arg3[%add3A_27] : memref<806912xi32, #tpu.memory_space<hbm>> -> memref<128xi32, #tpu.memory_space<hbm>>
    %dma_start3A_31 = arith.constant 0 : i32
    %dma_start3A_32 = tpu.memref_slice %arg5[%dma_start3A_31] : memref<480xi32, #tpu.memory_space<vmem>> -> memref<128xi32, #tpu.memory_space<vmem>>
    %dma_start3A_33 = tpu.memref_slice %arg3[%add3A_27] : memref<806912xi32, #tpu.memory_space<hbm>> -> memref<128xi32, #tpu.memory_space<hbm>>
    tpu.enqueue_dma source(%dma_start3A_33 : memref<128xi32, #tpu.memory_space<hbm>>) target(%dma_start3A_32 : memref<128xi32, #tpu.memory_space<vmem>>) target_semaphore(%arg9 : memref<!tpu.dma_semaphore, #tpu.memory_space<semaphore_mem>>)
    %dma_wait3A = arith.constant 0 : i32
    %dma_wait3A_34 = tpu.memref_slice %arg5[%dma_wait3A] : memref<480xi32, #tpu.memory_space<vmem>> -> memref<128xi32, #tpu.memory_space<vmem>>
    %dma_wait3A_35 = arith.constant 0 : i32
    %dma_wait3A_36 = tpu.memref_slice %arg3[%dma_wait3A_35] : memref<806912xi32, #tpu.memory_space<hbm>> -> memref<128xi32, #tpu.memory_space<hbm>>
    %dma_wait3A_37 = arith.constant 0 : i32
    %dma_wait3A_38 = tpu.memref_slice %arg5[%dma_wait3A_37] : memref<480xi32, #tpu.memory_space<vmem>> -> memref<128xi32, #tpu.memory_space<vmem>>
    %dma_wait3A_39 = arith.constant 0 : i32
    %dma_wait3A_40 = tpu.memref_slice %arg3[%dma_wait3A_39] : memref<806912xi32, #tpu.memory_space<hbm>> -> memref<128xi32, #tpu.memory_space<hbm>>
    tpu.wait_dma2 semaphore(%arg9 : memref<!tpu.dma_semaphore, #tpu.memory_space<semaphore_mem>>) src(%dma_wait3A_40 : memref<128xi32, #tpu.memory_space<hbm>>) dst(%dma_wait3A_38 : memref<128xi32, #tpu.memory_space<vmem>>)
    %dma_wait3A_41 = arith.constant 0 : i32
    %dma_wait3A_42 = arith.constant 0 : i32
    %dma_wait3A_43 = tpu.memref_slice %arg7[%dma_wait3A_41, %dma_wait3A_42] : memref<480x128xf32, #tpu.memory_space<vmem>> -> memref<480x128xf32, #tpu.memory_space<vmem>>
    %dma_wait3A_44 = arith.constant 0 : i32
    %dma_wait3A_45 = arith.constant 0 : i32
    %dma_wait3A_46 = tpu.memref_slice %arg4[%dma_wait3A_44, %dma_wait3A_45] : memref<403456x128xf32, #tpu.memory_space<hbm>> -> memref<480x128xf32, #tpu.memory_space<hbm>>
    %dma_wait3A_47 = arith.constant 0 : i32
    %dma_wait3A_48 = arith.constant 0 : i32
    %dma_wait3A_49 = tpu.memref_slice %arg4[%dma_wait3A_47, %dma_wait3A_48] : memref<403456x128xf32, #tpu.memory_space<hbm>> -> memref<480x128xf32, #tpu.memory_space<hbm>>
    %dma_wait3A_50 = arith.constant 0 : i32
    %dma_wait3A_51 = arith.constant 0 : i32
    %dma_wait3A_52 = tpu.memref_slice %arg7[%dma_wait3A_50, %dma_wait3A_51] : memref<480x128xf32, #tpu.memory_space<vmem>> -> memref<480x128xf32, #tpu.memory_space<vmem>>
    tpu.wait_dma2 semaphore(%arg13 : memref<!tpu.dma_semaphore, #tpu.memory_space<semaphore_mem>>) src(%dma_wait3A_52 : memref<480x128xf32, #tpu.memory_space<vmem>>) dst(%dma_wait3A_49 : memref<480x128xf32, #tpu.memory_space<hbm>>)
    %dma_start3A_53 = arith.constant 0 : i32
    %dma_start3A_54 = arith.constant 0 : i32
    %dma_start3A_55 = tpu.memref_slice %arg7[%dma_start3A_53, %dma_start3A_54] : memref<480x128xf32, #tpu.memory_space<vmem>> -> memref<128x128xf32, #tpu.memory_space<vmem>>
    %dma_start3A_56 = arith.constant 0 : i32
    %dma_start3A_57 = tpu.memref_slice %arg5[%dma_start3A_56] : memref<480xi32, #tpu.memory_space<vmem>> -> memref<128xi32, #tpu.memory_space<vmem>>
    %dma_start3A_58 = arith.constant 0 : i32
    %dma_start3A_59 = arith.constant 0 : i32
    %dma_start3A_60 = tpu.memref_slice %arg2[%dma_start3A_58, %dma_start3A_59] : memref<12608x128xf32, #tpu.memory_space<hbm>> -> memref<12608x128xf32, #tpu.memory_space<hbm>>
    tpu.enqueue_indirect_dma source(%dma_start3A_60 : memref<12608x128xf32, #tpu.memory_space<hbm>>) target(%dma_start3A_55 : memref<128x128xf32, #tpu.memory_space<vmem>>) offsets(%dma_start3A_57 : memref<128xi32, #tpu.memory_space<vmem>>) semaphore(%arg11 : memref<!tpu.dma_semaphore, #tpu.memory_space<semaphore_mem>>)
    %dma_wait3A_61 = arith.constant 0 : i32
    %dma_wait3A_62 = arith.constant 0 : i32
    %dma_wait3A_63 = tpu.memref_slice %arg7[%dma_wait3A_61, %dma_wait3A_62] : memref<480x128xf32, #tpu.memory_space<vmem>> -> memref<128x128xf32, #tpu.memory_space<vmem>>
    %dma_wait3A_64 = arith.constant 0 : i32
    %dma_wait3A_65 = arith.constant 0 : i32
    %dma_wait3A_66 = tpu.memref_slice %arg2[%dma_wait3A_64, %dma_wait3A_65] : memref<12608x128xf32, #tpu.memory_space<hbm>> -> memref<128x128xf32, #tpu.memory_space<hbm>>
    %dma_wait3A_67 = arith.constant 0 : i32
    %dma_wait3A_68 = arith.constant 0 : i32
    %dma_wait3A_69 = tpu.memref_slice %arg7[%dma_wait3A_67, %dma_wait3A_68] : memref<480x128xf32, #tpu.memory_space<vmem>> -> memref<128x128xf32, #tpu.memory_space<vmem>>
    %dma_wait3A_70 = arith.constant 0 : i32
    %dma_wait3A_71 = arith.constant 0 : i32
    %dma_wait3A_72 = tpu.memref_slice %arg2[%dma_wait3A_70, %dma_wait3A_71] : memref<12608x128xf32, #tpu.memory_space<hbm>> -> memref<128x128xf32, #tpu.memory_space<hbm>>
    tpu.wait_dma2 semaphore(%arg11 : memref<!tpu.dma_semaphore, #tpu.memory_space<semaphore_mem>>) src(%dma_wait3A_72 : memref<128x128xf32, #tpu.memory_space<hbm>>) dst(%dma_wait3A_69 : memref<128x128xf32, #tpu.memory_space<vmem>>)
    %dma_wait3A_73 = arith.constant 0 : i32
    %dma_wait3A_74 = arith.constant 0 : i32
    %dma_wait3A_75 = tpu.memref_slice %arg8[%dma_wait3A_73, %dma_wait3A_74] : memref<480x128xf32, #tpu.memory_space<vmem>> -> memref<480x128xf32, #tpu.memory_space<vmem>>
    %dma_wait3A_76 = arith.constant 0 : i32
    %dma_wait3A_77 = arith.constant 0 : i32
    %dma_wait3A_78 = tpu.memref_slice %arg4[%dma_wait3A_76, %dma_wait3A_77] : memref<403456x128xf32, #tpu.memory_space<hbm>> -> memref<480x128xf32, #tpu.memory_space<hbm>>
    %dma_wait3A_79 = arith.constant 0 : i32
    %dma_wait3A_80 = arith.constant 0 : i32
    %dma_wait3A_81 = tpu.memref_slice %arg4[%dma_wait3A_79, %dma_wait3A_80] : memref<403456x128xf32, #tpu.memory_space<hbm>> -> memref<480x128xf32, #tpu.memory_space<hbm>>
    %dma_wait3A_82 = arith.constant 0 : i32
    %dma_wait3A_83 = arith.constant 0 : i32
    %dma_wait3A_84 = tpu.memref_slice %arg8[%dma_wait3A_82, %dma_wait3A_83] : memref<480x128xf32, #tpu.memory_space<vmem>> -> memref<480x128xf32, #tpu.memory_space<vmem>>
    tpu.wait_dma2 semaphore(%arg14 : memref<!tpu.dma_semaphore, #tpu.memory_space<semaphore_mem>>) src(%dma_wait3A_84 : memref<480x128xf32, #tpu.memory_space<vmem>>) dst(%dma_wait3A_81 : memref<480x128xf32, #tpu.memory_space<hbm>>)
    %add3A_85 = arith.constant 12480 : i32
    %add3A_86 = arith.addi %mul3A_2, %add3A_85 : i32
    %dma_start3A_87 = arith.constant 0 : i32
    %dma_start3A_88 = arith.constant 0 : i32
    %dma_start3A_89 = tpu.memref_slice %arg7[%dma_start3A_87, %dma_start3A_88] : memref<480x128xf32, #tpu.memory_space<vmem>> -> memref<128x128xf32, #tpu.memory_space<vmem>>
    %dma_start3A_90 = arith.constant 0 : i32
    %dma_start3A_91 = tpu.memref_slice %arg4[%add3A_86, %dma_start3A_90] : memref<403456x128xf32, #tpu.memory_space<hbm>> -> memref<128x128xf32, #tpu.memory_space<hbm>>
    %dma_start3A_92 = arith.constant 0 : i32
    %dma_start3A_93 = tpu.memref_slice %arg4[%add3A_86, %dma_start3A_92] : memref<403456x128xf32, #tpu.memory_space<hbm>> -> memref<128x128xf32, #tpu.memory_space<hbm>>
    %dma_start3A_94 = arith.constant 0 : i32
    %dma_start3A_95 = arith.constant 0 : i32
    %dma_start3A_96 = tpu.memref_slice %arg7[%dma_start3A_94, %dma_start3A_95] : memref<480x128xf32, #tpu.memory_space<vmem>> -> memref<128x128xf32, #tpu.memory_space<vmem>>
    tpu.enqueue_dma source(%dma_start3A_96 : memref<128x128xf32, #tpu.memory_space<vmem>>) target(%dma_start3A_93 : memref<128x128xf32, #tpu.memory_space<hbm>>) target_semaphore(%arg13 : memref<!tpu.dma_semaphore, #tpu.memory_space<semaphore_mem>>)
    %dma_wait3A_97 = arith.constant 0 : i32
    %dma_wait3A_98 = arith.constant 0 : i32
    %dma_wait3A_99 = tpu.memref_slice %arg7[%dma_wait3A_97, %dma_wait3A_98] : memref<480x128xf32, #tpu.memory_space<vmem>> -> memref<128x128xf32, #tpu.memory_space<vmem>>
    %dma_wait3A_100 = arith.constant 0 : i32
    %dma_wait3A_101 = arith.constant 0 : i32
    %dma_wait3A_102 = tpu.memref_slice %arg4[%dma_wait3A_100, %dma_wait3A_101] : memref<403456x128xf32, #tpu.memory_space<hbm>> -> memref<128x128xf32, #tpu.memory_space<hbm>>
    %dma_wait3A_103 = arith.constant 0 : i32
    %dma_wait3A_104 = arith.constant 0 : i32
    %dma_wait3A_105 = tpu.memref_slice %arg4[%dma_wait3A_103, %dma_wait3A_104] : memref<403456x128xf32, #tpu.memory_space<hbm>> -> memref<128x128xf32, #tpu.memory_space<hbm>>
    %dma_wait3A_106 = arith.constant 0 : i32
    %dma_wait3A_107 = arith.constant 0 : i32
    %dma_wait3A_108 = tpu.memref_slice %arg7[%dma_wait3A_106, %dma_wait3A_107] : memref<480x128xf32, #tpu.memory_space<vmem>> -> memref<128x128xf32, #tpu.memory_space<vmem>>
    tpu.wait_dma2 semaphore(%arg13 : memref<!tpu.dma_semaphore, #tpu.memory_space<semaphore_mem>>) src(%dma_wait3A_108 : memref<128x128xf32, #tpu.memory_space<vmem>>) dst(%dma_wait3A_105 : memref<128x128xf32, #tpu.memory_space<hbm>>)
    return
  }
}

module attributes {stable_mosaic.version = 14 : i64} {
  func.func @_prep_body(%arg0: i32, %arg1: memref<1024x392xi32, #tpu.memory_space<vmem>>, %arg2: memref<8x64xf32, #tpu.memory_space<vmem>>, %arg3: memref<200x64xf32, #tpu.memory_space<vmem>>, %arg4: memref<1x64xf32, #tpu.memory_space<vmem>>, %arg5: memref<1x64xf32, #tpu.memory_space<vmem>>, %arg6: memref<197x8x8x128xf32, #tpu.memory_space<vmem>>, %arg7: memref<1024x197xi32, #tpu.memory_space<vmem>>) attributes {dimension_semantics = [#tpu.dimension_semantics<arbitrary>], iteration_bounds = array<i64: 4>, scalar_prefetch = 0 : i64, scratch_operands = 0 : i64, tpu.core_type = #tpu.core_type<tc>, window_params = [{transform_indices = @transform_0, window_bounds = array<i64: 1024, 392>}, {pipeline_mode = #tpu.pipeline_mode<synchronous>, transform_indices = @transform_1, window_bounds = array<i64: 8, 64>}, {pipeline_mode = #tpu.pipeline_mode<synchronous>, transform_indices = @transform_2, window_bounds = array<i64: 200, 64>}, {pipeline_mode = #tpu.pipeline_mode<synchronous>, transform_indices = @transform_3, window_bounds = array<i64: 1, 64>}, {pipeline_mode = #tpu.pipeline_mode<synchronous>, transform_indices = @transform_4, window_bounds = array<i64: 1, 64>}, {pipeline_mode = #tpu.pipeline_mode<synchronous>, transform_indices = @transform_5, window_bounds = array<i64: 197, 8, 8, 128>}, {transform_indices = @transform_6, window_bounds = array<i64: 1024, 197>}]} {
    %get3A = arith.constant 0 : index
    %get3A_0 = arith.constant 0 : index
    %get3A_1 = vector.load %arg1[%get3A, %get3A_0] : memref<1024x392xi32, #tpu.memory_space<vmem>>, vector<1024x392xi32>
    %broadcast_in_dim3A = arith.constant 0 : i32
    %broadcast_in_dim3A_2 = vector.broadcast %broadcast_in_dim3A : i32 to vector<1024x1xi32>
    %slice3A = vector.extract_strided_slice %get3A_1 {offsets = [0, 0], sizes = [1024, 196], strides = [1, 1]} : vector<1024x392xi32> to vector<1024x196xi32>
    %slice3A_3 = vector.extract_strided_slice %get3A_1 {offsets = [0, 196], sizes = [1024, 196], strides = [1, 1]} : vector<1024x392xi32> to vector<1024x196xi32>
    %concatenate3A = tpu.concatenate %broadcast_in_dim3A_2, %slice3A, %broadcast_in_dim3A_2, %slice3A_3 in 1 : vector<1024x1xi32>, vector<1024x196xi32>, vector<1024x1xi32>, vector<1024x196xi32> -> vector<1024x394xi32>
    %iota3A = tpu.iota {dimensions = array<i32: 0>} : vector<394x197xi32>
    %iota3A_4 = tpu.iota {dimensions = array<i32: 1>} : vector<394x197xi32>
    %mul3A = arith.constant 2 : i32
    %mul3A_5 = vector.broadcast %mul3A : i32 to vector<394x197xi32>
    %mul3A_6 = arith.muli %mul3A_5, %iota3A_4 : vector<394x197xi32>
    %eq3A = arith.cmpi eq, %iota3A, %mul3A_6 : vector<394x197xi32>
    %jit3A = arith.constant 8.000000e+00 : f32
    %jit3A_7 = arith.constant 0.000000e+00 : f32
    %broadcast_in_dim3A_8 = vector.broadcast %jit3A : f32 to vector<394x197xf32>
    %broadcast_in_dim3A_9 = vector.broadcast %jit3A_7 : f32 to vector<394x197xf32>
    %select_n3A = arith.select %eq3A, %broadcast_in_dim3A_8, %broadcast_in_dim3A_9 : vector<394x197xi1>, vector<394x197xf32>
    %mul3A_10 = arith.constant 2 : i32
    %mul3A_11 = vector.broadcast %mul3A_10 : i32 to vector<394x197xi32>
    %mul3A_12 = arith.muli %mul3A_11, %iota3A_4 : vector<394x197xi32>
    %add3A = arith.constant 1 : i32
    %add3A_13 = vector.broadcast %add3A : i32 to vector<394x197xi32>
    %add3A_14 = arith.addi %mul3A_12, %add3A_13 : vector<394x197xi32>
    %eq3A_15 = arith.cmpi eq, %iota3A, %add3A_14 : vector<394x197xi32>
    %jit3A_16 = arith.constant 1.000000e+00 : f32
    %jit3A_17 = arith.constant 0.000000e+00 : f32
    %broadcast_in_dim3A_18 = vector.broadcast %jit3A_16 : f32 to vector<394x197xf32>
    %broadcast_in_dim3A_19 = vector.broadcast %jit3A_17 : f32 to vector<394x197xf32>
    %select_n3A_20 = arith.select %eq3A_15, %broadcast_in_dim3A_18, %broadcast_in_dim3A_19 : vector<394x197xi1>, vector<394x197xf32>
    %add3A_21 = arith.addf %select_n3A, %select_n3A_20 : vector<394x197xf32>
    %convert_element_type3A = arith.sitofp %concatenate3A : vector<1024x394xi32> to vector<1024x394xf32>
    %dot_general3A = arith.constant dense<0.000000e+00> : vector<1024x197xf32>
    %dot_general3A_22 = tpu.matmul %convert_element_type3A, %add3A_21, %dot_general3A {dimension_numbers = #tpu.dot_dimension_numbers<[1], [0], [0], [1], [0, 0, 1, 1], [], []>, transpose_lhs_hint = false} : vector<1024x394xf32>, vector<394x197xf32>, vector<1024x197xf32> -> vector<1024x197xf32>
    %iota3A_23 = tpu.iota {dimensions = array<i32: 1>} : vector<1024x197xi32>
    %mul3A_24 = arith.constant 2 : i32
    %mul3A_25 = vector.broadcast %mul3A_24 : i32 to vector<1024x197xi32>
    %mul3A_26 = arith.muli %mul3A_25, %iota3A_23 : vector<1024x197xi32>
    %lt3A = arith.constant 197 : i32
    %lt3A_27 = vector.broadcast %lt3A : i32 to vector<1024x197xi32>
    %lt3A_28 = arith.cmpi slt, %mul3A_26, %lt3A_27 : vector<1024x197xi32>
    %mul3A_29 = arith.constant 2 : i32
    %mul3A_30 = vector.broadcast %mul3A_29 : i32 to vector<1024x197xi32>
    %mul3A_31 = arith.muli %mul3A_30, %iota3A_23 : vector<1024x197xi32>
    %mul3A_32 = arith.constant 2 : i32
    %mul3A_33 = vector.broadcast %mul3A_32 : i32 to vector<1024x197xi32>
    %mul3A_34 = arith.muli %mul3A_33, %iota3A_23 : vector<1024x197xi32>
    %sub3A = arith.constant 197 : i32
    %sub3A_35 = vector.broadcast %sub3A : i32 to vector<1024x197xi32>
    %sub3A_36 = arith.subi %mul3A_34, %sub3A_35 : vector<1024x197xi32>
    %select_n3A_37 = arith.select %lt3A_28, %mul3A_31, %sub3A_36 : vector<1024x197xi1>, vector<1024x197xi32>
    %mul3A_38 = arith.constant 64 : i32
    %mul3A_39 = vector.broadcast %mul3A_38 : i32 to vector<1024x197xi32>
    %mul3A_40 = arith.muli %select_n3A_37, %mul3A_39 : vector<1024x197xi32>
    %convert_element_type3A_41 = arith.fptosi %dot_general3A_22 : vector<1024x197xf32> to vector<1024x197xi32>
    %add3A_42 = arith.addi %mul3A_40, %convert_element_type3A_41 : vector<1024x197xi32>
    %swap3A = arith.constant 0 : index
    %swap3A_43 = arith.constant 0 : index
    %swap3A_44 = vector.load %arg7[%swap3A, %swap3A_43] : memref<1024x197xi32, #tpu.memory_space<vmem>>, vector<1024x197xi32>
    tpu.vector_store %arg7[%swap3A, %swap3A_43], %add3A_42 {strides = array<i32>} : memref<1024x197xi32, #tpu.memory_space<vmem>>, vector<1024x197xi32>,
    %eq3A_45 = arith.constant 0 : i32
    %eq3A_46 = arith.cmpi eq, %arg0, %eq3A_45 : i32
    %convert_element_type3A_47 = arith.extui %eq3A_46 : i1 to i32
    %cond3A = arith.constant 0 : i32
    %cond3A_48 = arith.cmpi ne, %convert_element_type3A_47, %cond3A : i32
    scf.if %cond3A_48 {
      %get3A_49 = arith.constant 0 : index
      %get3A_50 = arith.constant 0 : index
      %get3A_51 = vector.load %arg3[%get3A_49, %get3A_50] : memref<200x64xf32, #tpu.memory_space<vmem>>, vector<197x64xf32>
      %reshape3A = vector.shape_cast %get3A_51 : vector<197x64xf32> to vector<197x1x64xf32>
      %get3A_52 = arith.constant 0 : index
      %get3A_53 = arith.constant 0 : index
      %get3A_54 = vector.load %arg2[%get3A_52, %get3A_53] : memref<8x64xf32, #tpu.memory_space<vmem>>, vector<8x64xf32>
      %reshape3A_55 = vector.shape_cast %get3A_54 : vector<8x64xf32> to vector<1x8x64xf32>
      %add3A_56 = vector.broadcast %reshape3A : vector<197x1x64xf32> to vector<197x8x64xf32>
      %add3A_57 = vector.broadcast %reshape3A_55 : vector<1x8x64xf32> to vector<197x8x64xf32>
      %add3A_58 = arith.addf %add3A_56, %add3A_57 : vector<197x8x64xf32>
      %reduce_sum3A = arith.constant dense<0.000000e+00> : vector<197x8xf32>
      %reduce_sum3A_59 = vector.multi_reduction <add>, %add3A_58, %reduce_sum3A [2] : vector<197x8x64xf32> to vector<197x8xf32>
      %broadcast_in_dim3A_60 = vector.shape_cast %reduce_sum3A_59 : vector<197x8xf32> to vector<197x8x1xf32>
      %div3A = arith.constant 6.400000e+01 : f32
      %div3A_61 = vector.broadcast %div3A : f32 to vector<197x8x1xf32>
      %div3A_62 = arith.divf %broadcast_in_dim3A_60, %div3A_61 : vector<197x8x1xf32>
      %sub3A_63 = vector.broadcast %div3A_62 : vector<197x8x1xf32> to vector<197x8x64xf32>
      %sub3A_64 = arith.subf %add3A_58, %sub3A_63 : vector<197x8x64xf32>
      %integer_pow3A = arith.mulf %sub3A_64, %sub3A_64 : vector<197x8x64xf32>
      %reduce_sum3A_65 = arith.constant dense<0.000000e+00> : vector<197x8xf32>
      %reduce_sum3A_66 = vector.multi_reduction <add>, %integer_pow3A, %reduce_sum3A_65 [2] : vector<197x8x64xf32> to vector<197x8xf32>
      %broadcast_in_dim3A_67 = vector.shape_cast %reduce_sum3A_66 : vector<197x8xf32> to vector<197x8x1xf32>
      %div3A_68 = arith.constant 6.400000e+01 : f32
      %div3A_69 = vector.broadcast %div3A_68 : f32 to vector<197x8x1xf32>
      %div3A_70 = arith.divf %broadcast_in_dim3A_67, %div3A_69 : vector<197x8x1xf32>
      %sub3A_71 = vector.broadcast %div3A_62 : vector<197x8x1xf32> to vector<197x8x64xf32>
      %sub3A_72 = arith.subf %add3A_58, %sub3A_71 : vector<197x8x64xf32>
      %add3A_73 = arith.constant 9.99999974E-6 : f32
      %add3A_74 = vector.broadcast %add3A_73 : f32 to vector<197x8x1xf32>
      %add3A_75 = arith.addf %div3A_70, %add3A_74 : vector<197x8x1xf32>
      %sqrt3A = math.sqrt %add3A_75 : vector<197x8x1xf32>
      %div3A_76 = vector.broadcast %sqrt3A : vector<197x8x1xf32> to vector<197x8x64xf32>
      %div3A_77 = arith.divf %sub3A_72, %div3A_76 : vector<197x8x64xf32>
      %get3A_78 = arith.constant 0 : index
      %get3A_79 = arith.constant 0 : index
      %get3A_80 = vector.load %arg4[%get3A_78, %get3A_79] : memref<1x64xf32, #tpu.memory_space<vmem>>, vector<1x64xf32>
      %reshape3A_81 = vector.shape_cast %get3A_80 : vector<1x64xf32> to vector<1x1x64xf32>
      %mul3A_82 = vector.broadcast %reshape3A_81 : vector<1x1x64xf32> to vector<197x8x64xf32>
      %mul3A_83 = arith.mulf %div3A_77, %mul3A_82 : vector<197x8x64xf32>
      %get3A_84 = arith.constant 0 : index
      %get3A_85 = arith.constant 0 : index
      %get3A_86 = vector.load %arg5[%get3A_84, %get3A_85] : memref<1x64xf32, #tpu.memory_space<vmem>>, vector<1x64xf32>
      %reshape3A_87 = vector.shape_cast %get3A_86 : vector<1x64xf32> to vector<1x1x64xf32>
      %add3A_88 = vector.broadcast %reshape3A_87 : vector<1x1x64xf32> to vector<197x8x64xf32>
      %add3A_89 = arith.addf %mul3A_83, %add3A_88 : vector<197x8x64xf32>
      %slice3A_90 = vector.extract_strided_slice %add3A_89 {offsets = [1, 0, 0], sizes = [196, 8, 64], strides = [1, 1, 1]} : vector<197x8x64xf32> to vector<196x8x64xf32>
      %slice3A_91 = vector.extract_strided_slice %add3A_89 {offsets = [0, 0, 0], sizes = [1, 8, 64], strides = [1, 1, 1]} : vector<197x8x64xf32> to vector<1x8x64xf32>
      %concatenate3A_92 = tpu.concatenate %slice3A_90, %slice3A_91 in 0 : vector<196x8x64xf32>, vector<1x8x64xf32> -> vector<197x8x64xf32>
      %reshape3A_93 = vector.shape_cast %add3A_89 : vector<197x8x64xf32> to vector<197x8x1x64xf32>
      %broadcast_in_dim3A_94 = vector.shape_cast %reshape3A_93 : vector<197x8x1x64xf32> to vector<197x8x1x64xf32>
      %broadcast_in_dim3A_95 = vector.broadcast %broadcast_in_dim3A_94 : vector<197x8x1x64xf32> to vector<197x8x8x64xf32>
      %swap3A_96 = arith.constant 0 : index
      %swap3A_97 = arith.constant 0 : index
      %swap3A_98 = arith.constant 0 : index
      %swap3A_99 = arith.constant 0 : index
      %swap3A_100 = vector.load %arg6[%swap3A_96, %swap3A_97, %swap3A_98, %swap3A_99] : memref<197x8x8x128xf32, #tpu.memory_space<vmem>>, vector<197x8x8x64xf32>
      tpu.vector_store %arg6[%swap3A_96, %swap3A_97, %swap3A_98, %swap3A_99], %broadcast_in_dim3A_95 {strides = array<i32>} : memref<197x8x8x128xf32, #tpu.memory_space<vmem>>, vector<197x8x8x64xf32>,
      %reshape3A_101 = vector.shape_cast %concatenate3A_92 : vector<197x8x64xf32> to vector<197x1x8x64xf32>
      %broadcast_in_dim3A_102 = vector.shape_cast %reshape3A_101 : vector<197x1x8x64xf32> to vector<197x1x8x64xf32>
      %broadcast_in_dim3A_103 = vector.broadcast %broadcast_in_dim3A_102 : vector<197x1x8x64xf32> to vector<197x8x8x64xf32>
      %swap3A_104 = arith.constant 0 : index
      %swap3A_105 = arith.constant 0 : index
      %swap3A_106 = arith.constant 0 : index
      %swap3A_107 = arith.constant 64 : index
      %swap3A_108 = vector.load %arg6[%swap3A_104, %swap3A_105, %swap3A_106, %swap3A_107] : memref<197x8x8x128xf32, #tpu.memory_space<vmem>>, vector<197x8x8x64xf32>
      tpu.vector_store %arg6[%swap3A_104, %swap3A_105, %swap3A_106, %swap3A_107], %broadcast_in_dim3A_103 {strides = array<i32>} : memref<197x8x8x128xf32, #tpu.memory_space<vmem>>, vector<197x8x8x64xf32>,
    } else {
    }
    return
  }
  func.func @transform_0(%arg0: i32) -> (i32, i32) {
    %c0_i32 = arith.constant 0 : i32
    %c0_i32_0 = arith.constant 0 : i32
    return %arg0, %c0_i32 : i32, i32
  }
  func.func @transform_1(%arg0: i32) -> (i32, i32) {
    %c0_i32 = arith.constant 0 : i32
    %c0_i32_0 = arith.constant 0 : i32
    %c0_i32_1 = arith.constant 0 : i32
    return %c0_i32, %c0_i32_0 : i32, i32
  }
  func.func @transform_2(%arg0: i32) -> (i32, i32) {
    %c0_i32 = arith.constant 0 : i32
    %c0_i32_0 = arith.constant 0 : i32
    %c0_i32_1 = arith.constant 0 : i32
    return %c0_i32, %c0_i32_0 : i32, i32
  }
  func.func @transform_3(%arg0: i32) -> (i32, i32) {
    %c0_i32 = arith.constant 0 : i32
    %c0_i32_0 = arith.constant 0 : i32
    %c0_i32_1 = arith.constant 0 : i32
    return %c0_i32, %c0_i32_0 : i32, i32
  }
  func.func @transform_4(%arg0: i32) -> (i32, i32) {
    %c0_i32 = arith.constant 0 : i32
    %c0_i32_0 = arith.constant 0 : i32
    %c0_i32_1 = arith.constant 0 : i32
    return %c0_i32, %c0_i32_0 : i32, i32
  }
  func.func @transform_5(%arg0: i32) -> (i32, i32, i32, i32) {
    %c0_i32 = arith.constant 0 : i32
    %c0_i32_0 = arith.constant 0 : i32
    %c0_i32_1 = arith.constant 0 : i32
    %c0_i32_2 = arith.constant 0 : i32
    %c0_i32_3 = arith.constant 0 : i32
    return %c0_i32, %c0_i32_0, %c0_i32_1, %c0_i32_2 : i32, i32, i32, i32
  }
  func.func @transform_6(%arg0: i32) -> (i32, i32) {
    %c0_i32 = arith.constant 0 : i32
    %c0_i32_0 = arith.constant 0 : i32
    return %arg0, %c0_i32 : i32, i32
  }
}

</mosaic_0001>

<sc_bundles>
// kernel: kernel.5.cloned.1.call-start
scs
__scs_entry_jumppad:
0x0: {  	(pc) =	sbr.rel $0x88, $3  }
0x1: {  	(tag) =	ssettag $0x0;
	lr =	simm.s32 $0x1  }
0x2: {  	[smem:$0x3F9B] =	sst lr;
	_ =	strace $0xD0000000  }
0x3: {  	_ = 	snop  }
0x4: {  	_ = 	snop  }
0x5: {  	_ = 	snop  }
0x6: {  	_ = 	snop  }
0x7: {  	_ = 	snop  }
__scs_overlays_trampoline_lowered:
0x8: {  	[smem:$0x3FAA] =	sst s0  }
0x9: {  	[smem:$0x3FAB] =	sst s1  }
0xa: {  	[smem:$0x3FAC] =	sst s2  }
0xb: {  	[smem:$0x3FAD] =	sst s3  }
0xc: {  	[smem:$0x3FAE] =	sst s4  }
0xd: {  	[smem:$0x3FAF] =	sst s5  }
0xe: {  	[smem:$0x3FB0] =	sst s6  }
0xf: {  	[smem:$0x3FB1] =	sst s7  }
0x10: {  	[smem:$0x3FB2] =	sst s8  }
0x11: {  	[smem:$0x3FB3] =	sst s9;
	s0 =	simm.s32 @!p0 $0x0  }
0x12: {  	s1 =	sld [smem:$0x3F99];
	s0 =	simm.s32 @p0 $0x1  }
0x13: {  	[smem:$0x3FB4] =	sst s0;
	s0 =	simm.s32 @!p1 $0x0  }
0x14: {  	s2 =	sld [smem:$0x3F98];
	s0 =	simm.s32 @p1 $0x1  }
0x15: {  	[smem:$0x3FB5] =	sst s0;
	s0 =	simm.s32 @!p2 $0x0  }
0x16: {  	s3 =	sld [smem:$0x3FDB];
	s0 =	simm.s32 @p2 $0x1  }
0x17: {  	s4 =	simm.s32 $0x1BF5;
	[smem:$0x3FB7] =	sst s0  }
0x18: {  	s0 =	sld [smem:$0x3F9A];
	_ =	swait.ge [sflag:s4], $0x0  }
0x19: {  	s7 =	sld [smem:$0x3F9B]  }
0x1a: {  	s8 =	sadd.s32 $0xFFFFE003, lr  }
0x1b: {  	s9 =	sadd.s32 $0xFFFFFEF7, lr;
	s5 =	simm.s32 $0xFFFFFFFF;
	p2 =	slt.u32 s8, $0xFFFFF086  }
0x1c: {  	p1 =	slt.u32 s9, $0xF7A;
	s5 =	simm.s32 @!p2 $0x0  }
0x1d: {  	s5 =	simm.s32 @p1 $0x1;
	p0 =	seq.s32 s7, s2  }
0x1e: {  	s7 =	smul.u32 @!p0 $0xF7A, s2;
	p2 =	seq.s32 @!p0 s5, $0x0  }
0x1f: {  	s9 =	smul.u32 $0xF7A, s1;
	s8 =	simm.s32 @!p0 $0x1BF5;
	p2 =	por !p2, p0  }
0x20: {  	[sflag:s8] =	ssyncset.s32 @!p0 $0xFFFFF086;
	s6 =	sadd.s32 @!p0 s3, s7;
	s7 =	simm.s32 @!p0 $0x108  }
0x21: {  	s3 =	sadd.s32 s3, s9;
	s6 =	sadd.s32 @!p0 $0x88, s6;
	s7 =	simm.s32 @p2 $0x1082  }
0x22: {  	[simem:s7], [sflag:s8] =	dma.local @!p0 [hbm:s6], $0xF7A  }
0x23: {  	s9 =	sor.u32 $0xD0000000, s2;
	s6 =	simm.s32 $0x108;
	_ =	swait.ge @!p0 [sflag:s8], $0x0  }
0x24: {  	s3 =	sadd.s32 $0x88, s3;
	s6 =	simm.s32 @!p1 $0x1082;
	[sflag:s4] =	ssyncset.s32 $0xFFFFF086  }
0x25: {  	[simem:s6], [sflag:s4] =	dma.local [hbm:s3], $0xF7A  }
0x26: {  	[smem:$0x3F9B] =	sst s1;
	(tag) =	ssettag s2;
	_ =	strace s9  }
0x27: {  	s1 =	sld [smem:$0x3FAB]  }
0x28: {  	s2 =	sld [smem:$0x3FAC]  }
0x29: {  	s4 =	sld [smem:$0x3FAE]  }
0x2a: {  	p0 =	seq.s32 s5, $0x0;
	s5 =	sld [smem:$0x3FAF]  }
0x2b: {  	s6 =	sld [smem:$0x3FB0]  }
0x2c: {  	s7 =	sld [smem:$0x3FB1]  }
0x2d: {  	s3 =	simm.s32 $0x108;
	s8 =	sld [smem:$0x3FB2]  }
0x2e: {  	s3 =	simm.s32 @!p0 $0x1082;
	s9 =	sld [smem:$0x3FB3]  }
0x2f: {  	lr =	sadd.s32 s0, s3;
	s0 =	sld [smem:$0x3FAA]  }
0x30: {  	s3 =	sld [smem:$0x3FAD]  }
0x31: {  	[smem:$0x3FB6] =	sst s10  }
0x32: {  	s10 =	sld [smem:$0x3FB4];
	_ =	sdelay $0x3  }
0x33: {  	p0 =	seq.s32 s10, $0x1;
	s10 =	sld [smem:$0x3FB6];
	_ =	sdelay $0x3  }
0x34: {  	[smem:$0x3FB6] =	sst s10  }
0x35: {  	s10 =	sld [smem:$0x3FB5];
	_ =	sdelay $0x3  }
0x36: {  	p1 =	seq.s32 s10, $0x1;
	s10 =	sld [smem:$0x3FB6];
	_ =	sdelay $0x3  }
0x37: {  	[smem:$0x3FB6] =	sst s10  }
0x38: {  	s10 =	sld [smem:$0x3FB7]  }
0x39: {  	_ = 	snop;
	(pc) =	sbr.ind lr, $3  }
0x3a: {  	_ = 	snop  }
0x3b: {  	_ = 	snop  }
0x3c: {  	p2 =	seq.s32 s10, $0x1;
	s10 =	sld [smem:$0x3FB6]  }
0x3d: {  	_ =	shalt  }
0x3e: {  	_ =	shalt  }
0x3f: {  	_ =	shalt  }
0x40: {  	_ =	shalt  }
0x41: {  	_ =	shalt  }
0x42: {  	_ =	shalt  }
0x43: {  	_ =	shalt  }
0x44: {  	_ =	shalt  }
0x45: {  	_ =	shalt  }
0x46: {  	_ =	shalt  }
0x47: {  	_ =	shalt  }
0x48: {  	_ =	shalt  }
0x49: {  	_ =	shalt  }
0x4a: {  	_ =	shalt  }
0x4b: {  	_ =	shalt  }
0x4c: {  	_ =	shalt  }
0x4d: {  	_ =	shalt  }
0x4e: {  	_ =	shalt  }
0x4f: {  	_ =	shalt  }
0x50: {  	_ =	shalt  }
0x51: {  	_ =	shalt  }
0x52: {  	_ =	shalt  }
0x53: {  	_ =	shalt  }
0x54: {  	_ =	shalt  }
0x55: {  	_ =	shalt  }
0x56: {  	_ =	shalt  }
0x57: {  	_ =	shalt  }
0x58: {  	_ =	shalt  }
0x59: {  	_ =	shalt  }
0x5a: {  	_ =	shalt  }
0x5b: {  	_ =	shalt  }
0x5c: {  	_ =	shalt  }
0x5d: {  	_ =	shalt  }
0x5e: {  	_ =	shalt  }
0x5f: {  	_ =	shalt  }
0x60: {  	_ =	shalt  }
0x61: {  	_ =	shalt  }
0x62: {  	_ =	shalt  }
0x63: {  	_ =	shalt  }
0x64: {  	_ =	shalt  }
0x65: {  	_ =	shalt  }
0x66: {  	_ =	shalt  }
0x67: {  	_ =	shalt  }
0x68: {  	_ =	shalt  }
0x69: {  	_ =	shalt  }
0x6a: {  	_ =	shalt  }
0x6b: {  	_ =	shalt  }
0x6c: {  	_ =	shalt  }
0x6d: {  	_ =	shalt  }
0x6e: {  	_ =	shalt  }
0x6f: {  	_ =	shalt  }
0x70: {  	_ =	shalt  }
0x71: {  	_ =	shalt  }
0x72: {  	_ =	shalt  }
0x73: {  	_ =	shalt  }
0x74: {  	_ =	shalt  }
0x75: {  	_ =	shalt  }
0x76: {  	_ =	shalt  }
0x77: {  	_ =	shalt  }
0x78: {  	_ =	shalt  }
0x79: {  	_ =	shalt  }
0x7a: {  	_ =	shalt  }
0x7b: {  	_ =	shalt  }
0x7c: {  	_ =	shalt  }
0x7d: {  	_ =	shalt  }
0x7e: {  	_ =	shalt  }
0x7f: {  	_ =	shalt  }
0x80: {  	_ =	shalt  }
0x81: {  	_ =	shalt  }
0x82: {  	_ =	shalt  }
0x83: {  	_ =	shalt  }
0x84: {  	_ =	shalt  }
0x85: {  	_ =	shalt  }
0x86: {  	_ =	shalt  }
0x87: {  	_ =	shalt  }
.Lfunc_end0:
.L_simem_size_0:
called_computation.2_lowered:
.L_overlay_start_0:
0x88: {  	s2 =	sld [smem:$0x3FD9]  }
0x89: {  	s3 =	sld [smem:$0x3FFE];
	_ =	sdelay $0x1  }
0x8a: {  	s1 =	srdreg.scid  }
0x8b: {  	s0 =	sand.u32 $0x1, s1  }
0x8c: {  	s14 =	sshll.u32 s0, $0xA;
	s2 =	sadd.s32 s3, s2  }
0x8d: {  	s2 =	sadd.s32 s2, s14  }
0x8e: {  	[smem:$0x3FC2] =	sst s2  }
0x8f: {  	_ = 	snop  }
0x90: {  	s2 =	sld [smem:$0x3FD0];
	_ =	sdelay $0x2  }
0x91: {  	s15 =	simm.s32 $0xB;
	s4 =	simm.s32 $0x10  }
0x92: {  	[smem:s4], [sflag:s15] =	dma.local [hbm:s2], $0x1  }
0x93: {  	_ =	swait.eq [sflag:s15], $0x1  }
0x94: {  	[sflag:s15] =	ssyncset.done $0x0  }
0x95: {  	[sflag:s15] =	ssyncadd.s32 $0xFFFFFFFF  }
0x96: {  	s16 =	sld [smem:$0x10];
	(tm) =	ssettm $0x1  }
0x97: {  	s17 =	sld [smem:$0x3FFB];
	_ =	sdelay $0x3  }
0x98: {  	_ =	strace s17  }
0x99: {  	s3 =	sld [smem:$0x3FFC];
	_ =	sdelay $0x3  }
0x9a: {  	_ =	strace s3  }
0x9b: {  	s3 =	sld [smem:$0x3FFD];
	_ =	sdelay $0x3  }
0x9c: {  	_ =	strace s3  }
0x9d: {  	_ =	strace $0x8FFFFFFF  }
0x9e: {  	s18 =	sld [smem:$0x3FDB];
	_ =	sdelay $0x1  }
0x9f: {  	s19 =	simm.s32 $_scs_section_size  }
0xa0: {  	s5 =	simm.s32 $_size__tile_overlayer_lowered;
	s6 =	simm.s32 $_tile_overlayer_lowered  }
0xa1: {  	s22 =	simm.s32 $0x1BFF;
	s21 =	sshll.u32 s6, $0x1;
	s3 =	sadd.s32 s19, s18  }
0xa2: {  	s7 =	simm.s32 $0x0;
	s20 =	sshll.u32 s5, $0x1;
	s5 =	sadd.s32 s21, s3  }
0xa3: {  	[timem:s7], [sflag:s22] =	dma.local [hbm:s5], s20  }
0xa4: {  	_ =	swait.ge [sflag:s22], s20  }
0xa5: {  	s4 =	ssub.s32 $0x0, s20;
	[sflag:s22] =	ssyncset.done $0x0  }
0xa6: {  	[sflag:s22] =	ssyncadd.s32 s4;
	_ =	sdelay $0x1  }
0xa7: {  	s23 =	simm.s32 $0x1B8B  }
0xa8: {  	_ =	swait.ge [sflag:s23], $0x1  }
0xa9: {  	[sflag:s23] =	ssyncset.done $0x0  }
0xaa: {  	s25 =	simm.s32 $0x1B8E;
	s24 =	sld [smem:$0x3FFE];
	[sflag:s23] =	ssyncadd.s32 $0xFFFFFFFF  }
0xab: {  	s26 =	simm.s32 $execute0_lowered;
	[smem:$0x3FD2] =	sst s25  }
0xac: {  	s5 =	sshll.u32 s26, $0x1;
	_ =	strace $0x80000046;
	[dreg:$0x1] =	wrdreg $0xFFFFFFFF  }
0xad: {  	s28 =	simm.s32 $_size_execute0_lowered;
	s3 =	sadd.s32 s3, s5;
	[dreg:$0x0] =	wrdreg $0x0  }
0xae: {  	s5 =	sshll.u32 s28, $0x1;
	[dreg:$0x2] =	wrdreg s3  }
0xaf: {  	[dreg:$0x3] =	wrdreg s5  }
0xb0: {  	[dreg:$0x4] =	wrdreg $0xC0  }
0xb1: {  	_ =	task [dreg:s7], $0x5FFFF  }
0xb2: {  	[dreg:$0x1] =	wrdreg $0xFFFFFFFF  }
0xb3: {  	[dreg:$0x0] =	wrdreg $0x60  }
0xb4: {  	[dreg:$0x2] =	wrdreg s24  }
0xb5: {  	[dreg:$0x3] =	wrdreg s16  }
0xb6: {  	[dreg:$0x4] =	wrdreg $0x9  }
0xb7: {  	_ =	task.clear_ibuf [dreg:s7], $0x5FFFF;
	_ =	strace $0x90000046  }
0xb8: {  	s29 =	simm.s32 $0x9;
	_ =	strace $0x80000048  }
0xb9: {  	_ =	swait.ge [sflag:s29], $0x1  }
0xba: {  	[sflag:s29] =	ssyncadd.s32 $0xFFFFFFFF  }
0xbb: {  	_ =	strace $0x90000048  }
0xbc: {  	_ =	sfence  }
0xbd: {  	s30 =	sld [smem:$0x0];
	_ =	sdelay $0x2  }
0xbe: {  	s31 =	sshll.u32 s1, $0xD;
	s1 =	sshrl.u32 s1, $0x2  }
0xbf: {  	s3 =	sand.u32 $0x4000, s31;
	s1 =	sadd.s32 s1, s30  }
0xc0: {  	s0 =	sor.u32 s3, s0;
	s1 =	sshll.u32 s1, $0x11  }
0xc1: {  	s0 =	sor.u32 s1, s0  }
0xc2: {  	s0 =	sadd.s32 $0x8F2B, s0  }
0xc3: {  	[sflag:s0] =	ssyncadd.remote.s32 $0x1  }
0xc4: {  	_ =	sfence.sel $0xFFFF  }
0xc5: {  	[dreg:$0x0] =	wrdreg $0xFFFFFFFF;
	(pc) =	sbr.abs _section_cstart, $3  }
0xc6: {  	[dreg:$0x1] =	wrdreg $0xFFFFFFFF  }
0xc7: {  	_ =	task.clear_ibuf [dreg:s7], $0x2FFFF;
	_ =	strace $0x9FFFFFFF  }
0xc8: {  	(tm) =	ssettm $0x7FFFFFFF  }
0xc9: {  	_ =	shalt  }
tec
execute0_lowered:
.L_overlay_start_1:
0x0: {  	(tag) =	ssettag $0x1  }
0x1: {  	s0 =	rddreg [dreg:$0x0]  }
0x2: {  	s1 =	rddreg [dreg:$0x1];
	s3 =	srdreg.scid  }
0x3: {  	s11 =	stileid.u32;
	s2 =	simm.s32 $0x0;
	s28 =	simm.s32 $0x3  }
0x4: {  	s29 =	simm.s32 $0x2;
	s30 =	simm.s32 $0xF3C0;
	s31 =	simm.s32 $0x260  }
0x5: {  	s4 =	sand.u32 $0x1, s3;
	s13 =	sshll.u32 s11, $0x1;
	s16 =	smul.u32 $0x6280, s11  }
0x6: {  	[smem:$0x7FF] =	sst s2;
	s3 =	sadd.s32 $0x1C00, s0;
	s24 =	smul.u32 $0x62800, s11  }
0x7: {  	s0 =	sadd.s32 $0x33000, s0;
	s5 =	sor.u32 s4, s13;
	s17 =	smul.u32 $0x3140, s4  }
0x8: {  	s11 =	simm.s32 $0x6;
	s7 =	ssub.s32 $0x2, s4;
	s6 =	smul.u32 $0x3140, s5  }
0x9: {  	_ =	strace $0x80000047;
	s4 =	smul.u32 $0x31400, s4;
	s8 =	sshrl.u32 s7, $0x1  }
0xa: {  	s5 =	smul.u32 $0x31400, s5;
	s7 =	ssub.s32 s7, s8;
	s9 =	sshrl.u32 s6, $0x3  }
0xb: {  	s10 =	sadd.s32 $0x1E0, s6;
	s6 =	sadd.s32 $0x30C0, s6;
	s7 =	smax.u32 s7, $0x1  }
0xc: {  	s19 =	sadd.s32 s1, s5;
	s12 =	sadd.s32 s0, s9;
	[dreg:$0x9] =	wrdreg s7  }
0xd: {  	s14 =	sshrl.u32 s10, $0x3;
	s15 =	sshrl.u32 s6, $0x3;
	[dreg:$0xb] =	wrdreg s19  }
0xe: {  	s6 =	sshll.u32 s6, $0x4;
	s22 =	sadd.s32 $0x2D000, s19;
	[dreg:$0x5] =	wrdreg s12  }
0xf: {  	s21 =	sshll.u32 s10, $0x4;
	s7 =	sadd.s32 $0x2EE00, s19;
	[dreg:$0xe] =	wrdreg s22  }
0x10: {  	s19 =	simm.s32 $0x80;
	s8 =	sadd.s32 s0, s14;
	[dreg:$0xf] =	wrdreg s7  }
0x11: {  	s9 =	simm.s32 $0x5;
	s6 =	sadd.s32 s1, s6;
	[dreg:$0x6] =	wrdreg s8  }
0x12: {  	s18 =	sadd.s32 $0x78, s12;
	s20 =	sadd.s32 $0xB4, s12;
	[dreg:$0x8] =	wrdreg s6  }
0x13: {  	s5 =	sadd.s32 s1, s21;
	s21 =	simm.s32 $0x43C0;
	[dreg:$0xa] =	wrdreg s18  }
0x14: {  	s22 =	simm.s32 $0x100;
	s7 =	simm.s32 $0x1B3C0;
	[dreg:$0xc] =	wrdreg s20  }
0x15: {  	s8 =	sadd.s32 s0, s15;
	s6 =	sadd.s32 s17, s16;
	[dreg:$0xd] =	wrdreg s5  }
0x16: {  	s17 =	simm.s32 $0x1E0;
	s18 =	simm.s32 $0x1;
	s20 =	simm.s32 $0x3C0  }
0x17: {  	[dreg:$0x7] =	wrdreg s8;
	s23 =	sshll.u32 s6, $0x4;
	s25 =	sadd.s32 $0x960, s6  }
0x18: {  	s6 =	sadd.s32 $0x780, s6;
	s8 =	simm.s32 $0x4;
	s5 =	sadd.s32 s1, s23  }
0x19: {  	s1 =	sadd.s32 s24, s1;
	s26 =	sshrl.u32 s6, $0x3;
	s23 =	simm.s32 $0x83C0  }
0x1a: {  	s24 =	simm.s32 $0x60;
	s6 =	simm.s32 $0x360;
	s5 =	sadd.s32 $0x5A00, s5  }
0x1b: {  	s1 =	sadd.s32 s4, s1;
	s4 =	simm.s32 $0x0;
	[dreg:$0x10] =	wrdreg s5  }
0x1c: {  	s5 =	sshrl.u32 s25, $0x3;
	s1 =	sadd.s32 $0x3C00, s1;
	s25 =	simm.s32 $0x180  }
0x1d: {  	s5 =	sadd.s32 s5, s0;
	[dreg:$0x11] =	wrdreg s1;
	s0 =	sadd.s32 s26, s0  }
0x1e: {  	s26 =	simm.s32 $0xC3C0;
	s1 =	simm.s32 $0x2E0;
	[dreg:$0x3] =	wrdreg s5  }
0x1f: {  	[dreg:$0x4] =	wrdreg s0;
	s0 =	simm.s32 $0x133C0;
	s5 =	simm.s32 $0x173C0  }
.LBB2_1:
0x20: {  	s10 =	rddreg [dreg:$0x5]  }
0x21: {  	[tilespmem:s2], [sflag:$0x1] =	stream.linear.gather [hbm4b:s10+s2], $0x1E0, $0x38;
	[tilespmem:$0x1E3C0] =	vst v63  }
0x22: {  	s15 =	rddreg [dreg:$0x6]  }
0x23: {  	[tilespmem:s17], [sflag:$0x2] =	stream.linear.gather [hbm4b:s15+s2], $0x1E0, $0x38;
	[tilespmem:$0x1E3C0] =	vst v63  }
0x24: {  	_ =	swait.ge [sflag:s18], $0x1E0  }
0x25: {  	[sflag:s18] =	ssyncset.done $0x0  }
0x26: {  	[sflag:s18] =	ssyncadd.s32 $0xFFFFFE20  }
0x27: {  	[tilespmem:s20], [sflag:$0x3] =	stream.indirect.gather [hbm4b:s3+s19], $0x80, s2, s19, $0xb8;
	[tilespmem:$0x1E3C0] =	vst v63  }
0x28: {  	_ = 	snop  }
0x29: {  	[tilespmem:s21], [sflag:$0x3] =	stream.indirect.gather [hbm4b:s3+s19], $0x80, s19, s19, $0xb8;
	[tilespmem:$0x1E3C0] =	vst v63  }
0x2a: {  	_ = 	snop  }
0x2b: {  	[tilespmem:s23], [sflag:$0x3] =	stream.indirect.gather [hbm4b:s3+s19], $0x80, s22, s19, $0xb8;
	[tilespmem:$0x1E3C0] =	vst v63  }
0x2c: {  	_ = 	snop  }
0x2d: {  	[tilespmem:s26], [sflag:$0x3] =	stream.indirect.gather [hbm4b:s3+s24], $0x80, s25, s24, $0xb8;
	[tilespmem:$0x1E3C0] =	vst v63  }
0x2e: {  	_ =	swait.ge [sflag:s28], $0xF000  }
0x2f: {  	[sflag:s28] =	ssyncset.done $0x0  }
0x30: {  	s16 =	rddreg [dreg:$0xa];
	[sflag:s28] =	ssyncadd.s32 $0xFFFF1000  }
0x31: {  	[tilespmem:s2], [sflag:$0x1] =	stream.linear.gather [hbm4b:s16+s2], $0x1E0, $0x38;
	[tilespmem:$0x1E3C0] =	vst v63  }
0x32: {  	s12 =	rddreg [dreg:$0xb]  }
0x33: {  	[hbm4b:s12+s2] =	stream.linear.scatter [tilespmem:s20], [sflag:$0x5], $0xF000, $0x38;
	[tilespmem:$0x1E3C0] =	vst v63  }
0x34: {  	_ =	swait.ge [sflag:s29], $0x1E0  }
0x35: {  	[sflag:s29] =	ssyncset.done $0x0  }
0x36: {  	[sflag:s29] =	ssyncadd.s32 $0xFFFFFE20  }
0x37: {  	[tilespmem:s30], [sflag:$0x4] =	stream.indirect.gather [hbm4b:s3+s19], $0x80, s17, s19, $0xb8;
	[tilespmem:$0x1E3C0] =	vst v63  }
0x38: {  	_ = 	snop  }
0x39: {  	[tilespmem:s0], [sflag:$0x4] =	stream.indirect.gather [hbm4b:s3+s19], $0x80, s31, s19, $0xb8;
	[tilespmem:$0x1E3C0] =	vst v63  }
0x3a: {  	_ = 	snop  }
0x3b: {  	[tilespmem:s5], [sflag:$0x4] =	stream.indirect.gather [hbm4b:s3+s19], $0x80, s1, s19, $0xb8;
	[tilespmem:$0x1E3C0] =	vst v63  }
0x3c: {  	_ = 	snop  }
0x3d: {  	[tilespmem:s7], [sflag:$0x4] =	stream.indirect.gather [hbm4b:s3+s24], $0x80, s6, s24, $0xb8;
	[tilespmem:$0x1E3C0] =	vst v63  }
0x3e: {  	_ =	swait.ge [sflag:s8], $0xF000  }
0x3f: {  	[sflag:s8] =	ssyncset.done $0x0  }
0x40: {  	s13 =	rddreg [dreg:$0xc];
	[sflag:s8] =	ssyncadd.s32 $0xFFFF1000  }
0x41: {  	[tilespmem:s17], [sflag:$0x2] =	stream.linear.gather [hbm4b:s13+s2], $0x1E0, $0x38;
	[tilespmem:$0x1E3C0] =	vst v63  }
0x42: {  	s14 =	rddreg [dreg:$0xd]  }
0x43: {  	[hbm4b:s14+s2] =	stream.linear.scatter [tilespmem:s30], [sflag:$0x6], $0xF000, $0x38;
	[tilespmem:$0x1E3C0] =	vst v63  }
0x44: {  	_ =	swait.ge [sflag:s18], $0x1E0  }
0x45: {  	[sflag:s18] =	ssyncset.done $0x0  }
0x46: {  	[sflag:s18] =	ssyncadd.s32 $0xFFFFFE20  }
0x47: {  	_ =	swait.ge [sflag:s9], $0xF000  }
0x48: {  	[sflag:s9] =	ssyncset.done $0x0  }
0x49: {  	[sflag:s9] =	ssyncadd.s32 $0xFFFF1000  }
0x4a: {  	[tilespmem:s20], [sflag:$0x3] =	stream.indirect.gather [hbm4b:s3+s19], $0x80, s2, s19, $0xb8;
	[tilespmem:$0x1E3C0] =	vst v63  }
0x4b: {  	_ = 	snop  }
0x4c: {  	[tilespmem:s21], [sflag:$0x3] =	stream.indirect.gather [hbm4b:s3+s19], $0x80, s19, s19, $0xb8;
	[tilespmem:$0x1E3C0] =	vst v63  }
0x4d: {  	_ = 	snop  }
0x4e: {  	[tilespmem:s23], [sflag:$0x3] =	stream.indirect.gather [hbm4b:s3+s19], $0x80, s22, s19, $0xb8;
	[tilespmem:$0x1E3C0] =	vst v63  }
0x4f: {  	_ = 	snop  }
0x50: {  	[tilespmem:s26], [sflag:$0x3] =	stream.indirect.gather [hbm4b:s3+s24], $0x80, s25, s24, $0xb8;
	[tilespmem:$0x1E3C0] =	vst v63  }
0x51: {  	_ =	swait.ge [sflag:s28], $0xF000  }
0x52: {  	s15 =	rddreg [dreg:$0x4];
	[sflag:s28] =	ssyncset.done $0x0  }
0x53: {  	[sflag:s28] =	ssyncadd.s32 $0xFFFF1000;
	s10 =	sadd.s32 $0x0, s15  }
0x54: {  	[tilespmem:s2], [sflag:$0x1] =	stream.linear.gather [hbm4b:s10+s2], $0x1E0, $0x38;
	[tilespmem:$0x1E3C0] =	vst v63  }
0x55: {  	s14 =	rddreg [dreg:$0x11]  }
0x56: {  	[hbm4b:s14+s2] =	stream.linear.scatter [tilespmem:s20], [sflag:$0x5], $0xF000, $0x38;
	[tilespmem:$0x1E3C0] =	vst v63  }
0x57: {  	_ =	swait.ge [sflag:s29], $0x1E0  }
0x58: {  	[sflag:s29] =	ssyncset.done $0x0  }
0x59: {  	[sflag:s29] =	ssyncadd.s32 $0xFFFFFE20  }
0x5a: {  	_ =	swait.ge [sflag:s11], $0xF000  }
0x5b: {  	[sflag:s11] =	ssyncset.done $0x0  }
0x5c: {  	[sflag:s11] =	ssyncadd.s32 $0xFFFF1000  }
0x5d: {  	[tilespmem:s30], [sflag:$0x4] =	stream.indirect.gather [hbm4b:s3+s19], $0x80, s17, s19, $0xb8;
	[tilespmem:$0x1E3C0] =	vst v63  }
0x5e: {  	_ = 	snop  }
0x5f: {  	[tilespmem:s0], [sflag:$0x4] =	stream.indirect.gather [hbm4b:s3+s19], $0x80, s31, s19, $0xb8;
	[tilespmem:$0x1E3C0] =	vst v63  }
0x60: {  	_ = 	snop  }
0x61: {  	[tilespmem:s5], [sflag:$0x4] =	stream.indirect.gather [hbm4b:s3+s19], $0x80, s1, s19, $0xb8;
	[tilespmem:$0x1E3C0] =	vst v63  }
0x62: {  	_ = 	snop  }
0x63: {  	[tilespmem:s7], [sflag:$0x4] =	stream.indirect.gather [hbm4b:s3+s24], $0x80, s6, s24, $0xb8;
	[tilespmem:$0x1E3C0] =	vst v63  }
0x64: {  	_ =	swait.ge [sflag:s8], $0xF000  }
0x65: {  	s12 =	simm.s32 $0x78;
	s16 =	rddreg [dreg:$0x3]  }
0x66: {  	s14 =	sadd.s32 $0x3C00, s14;
	[sflag:s8] =	ssyncset.done $0x0;
	s15 =	rddreg [dreg:$0x10]  }
0x67: {  	[sflag:s8] =	ssyncadd.s32 $0xFFFF1000;
	s10 =	sadd.s32 $0x0, s16;
	s13 =	sadd.s32 $0x3C00, s15  }
0x68: {  	[tilespmem:s17], [sflag:$0x2] =	stream.linear.gather [hbm4b:s10+s2], $0x1E0, $0x38;
	[tilespmem:$0x1E3C0] =	vst v63  }
.LBB2_2:
0x69: {  	[hbm4b:s15+s2] =	stream.linear.scatter [tilespmem:s30], [sflag:$0x6], $0xF000, $0x38;
	[tilespmem:$0x1E3C0] =	vst v63  }
0x6a: {  	_ =	swait.ge [sflag:s18], $0x1E0  }
0x6b: {  	[sflag:s18] =	ssyncset.done $0x0  }
0x6c: {  	[sflag:s18] =	ssyncadd.s32 $0xFFFFFE20  }
0x6d: {  	_ =	swait.ge [sflag:s9], $0xF000  }
0x6e: {  	[sflag:s9] =	ssyncset.done $0x0  }
0x6f: {  	[sflag:s9] =	ssyncadd.s32 $0xFFFF1000  }
0x70: {  	[tilespmem:s20], [sflag:$0x3] =	stream.indirect.gather [hbm4b:s3+s19], $0x80, s2, s19, $0xb8;
	[tilespmem:$0x1E3C0] =	vst v63  }
0x71: {  	_ = 	snop  }
0x72: {  	[tilespmem:s21], [sflag:$0x3] =	stream.indirect.gather [hbm4b:s3+s19], $0x80, s19, s19, $0xb8;
	[tilespmem:$0x1E3C0] =	vst v63  }
0x73: {  	_ = 	snop  }
0x74: {  	[tilespmem:s23], [sflag:$0x3] =	stream.indirect.gather [hbm4b:s3+s19], $0x80, s22, s19, $0xb8;
	[tilespmem:$0x1E3C0] =	vst v63  }
0x75: {  	_ = 	snop  }
0x76: {  	[tilespmem:s26], [sflag:$0x3] =	stream.indirect.gather [hbm4b:s3+s24], $0x80, s25, s24, $0xb8;
	[tilespmem:$0x1E3C0] =	vst v63  }
0x77: {  	_ =	swait.ge [sflag:s28], $0xF000  }
0x78: {  	s10 =	smov.u32 s12;
	s16 =	rddreg [dreg:$0x4];
	[sflag:s28] =	ssyncset.done $0x0  }
0x79: {  	[sflag:s28] =	ssyncadd.s32 $0xFFFF1000;
	s16 =	sadd.s32 s10, s16  }
0x7a: {  	[tilespmem:s2], [sflag:$0x1] =	stream.linear.gather [hbm4b:s16+s2], $0x1E0, $0x38;
	[tilespmem:$0x1E3C0] =	vst v63  }
0x7b: {  	_ = 	snop  }
0x7c: {  	[hbm4b:s14+s2] =	stream.linear.scatter [tilespmem:s20], [sflag:$0x5], $0xF000, $0x38;
	[tilespmem:$0x1E3C0] =	vst v63  }
0x7d: {  	_ =	swait.ge [sflag:s29], $0x1E0  }
0x7e: {  	[sflag:s29] =	ssyncset.done $0x0  }
0x7f: {  	[sflag:s29] =	ssyncadd.s32 $0xFFFFFE20  }
0x80: {  	_ =	swait.ge [sflag:s11], $0xF000  }
0x81: {  	[sflag:s11] =	ssyncset.done $0x0  }
0x82: {  	[sflag:s11] =	ssyncadd.s32 $0xFFFF1000  }
0x83: {  	[tilespmem:s30], [sflag:$0x4] =	stream.indirect.gather [hbm4b:s3+s19], $0x80, s17, s19, $0xb8;
	[tilespmem:$0x1E3C0] =	vst v63  }
0x84: {  	_ = 	snop  }
0x85: {  	[tilespmem:s0], [sflag:$0x4] =	stream.indirect.gather [hbm4b:s3+s19], $0x80, s31, s19, $0xb8;
	[tilespmem:$0x1E3C0] =	vst v63  }
0x86: {  	_ = 	snop  }
0x87: {  	[tilespmem:s5], [sflag:$0x4] =	stream.indirect.gather [hbm4b:s3+s19], $0x80, s1, s19, $0xb8;
	[tilespmem:$0x1E3C0] =	vst v63  }
0x88: {  	p0 =	sne.s32 s12, $0x4B0  }
0x89: {  	[tilespmem:s7], [sflag:$0x4] =	stream.indirect.gather [hbm4b:s3+s24], $0x80, s6, s24, $0xb8;
	[tilespmem:$0x1E3C0] =	vst v63  }
.Ltmp0:
0x8a: {  	_ = 	snop;
	(pc) =	sbr.rel @p0 .LBB2_2-.Ltmp0, $4  }
0x8b: {  	s15 =	smov.u32 s13;
	s12 =	sadd.s32 $0x78, s12;
	_ =	swait.ge [sflag:s8], $0xF000  }
0x8c: {  	s13 =	sadd.s32 $0x3C00, s13;
	s16 =	rddreg [dreg:$0x3];
	[sflag:s8] =	ssyncset.done $0x0  }
0x8d: {  	s14 =	sadd.s32 $0x3C00, s14;
	[sflag:s8] =	ssyncadd.s32 $0xFFFF1000;
	s10 =	sadd.s32 s10, s16  }
0x8e: {  	[tilespmem:s17], [sflag:$0x2] =	stream.linear.gather [hbm4b:s10+s2], $0x1E0, $0x38;
	[tilespmem:$0x1E3C0] =	vst v63  }
0x8f: {  	[hbm4b:s15+s2] =	stream.linear.scatter [tilespmem:s30], [sflag:$0x6], $0xF000, $0x38;
	[tilespmem:$0x1E3C0] =	vst v63  }
0x90: {  	_ =	swait.ge [sflag:s18], $0x1E0  }
0x91: {  	[sflag:s18] =	ssyncset.done $0x0  }
0x92: {  	[sflag:s18] =	ssyncadd.s32 $0xFFFFFE20  }
0x93: {  	_ =	swait.ge [sflag:s9], $0xF000  }
0x94: {  	[sflag:s9] =	ssyncset.done $0x0  }
0x95: {  	[sflag:s9] =	ssyncadd.s32 $0xFFFF1000  }
0x96: {  	[tilespmem:s20], [sflag:$0x3] =	stream.indirect.gather [hbm4b:s3+s19], $0x80, s2, s19, $0xb8;
	[tilespmem:$0x1E3C0] =	vst v63  }
0x97: {  	_ = 	snop  }
0x98: {  	[tilespmem:s21], [sflag:$0x3] =	stream.indirect.gather [hbm4b:s3+s19], $0x80, s19, s19, $0xb8;
	[tilespmem:$0x1E3C0] =	vst v63  }
0x99: {  	_ = 	snop  }
0x9a: {  	[tilespmem:s23], [sflag:$0x3] =	stream.indirect.gather [hbm4b:s3+s19], $0x80, s22, s19, $0xb8;
	[tilespmem:$0x1E3C0] =	vst v63  }
0x9b: {  	_ = 	snop  }
0x9c: {  	[tilespmem:s26], [sflag:$0x3] =	stream.indirect.gather [hbm4b:s3+s24], $0x80, s25, s24, $0xb8;
	[tilespmem:$0x1E3C0] =	vst v63  }
0x9d: {  	_ =	swait.ge [sflag:s28], $0xF000  }
0x9e: {  	[sflag:s28] =	ssyncset.done $0x0  }
0x9f: {  	s10 =	rddreg [dreg:$0xe];
	[sflag:s28] =	ssyncadd.s32 $0xFFFF1000  }
0xa0: {  	[hbm4b:s10+s2] =	stream.linear.scatter [tilespmem:s20], [sflag:$0x5], $0xF000, $0x38;
	[tilespmem:$0x1E3C0] =	vst v63  }
0xa1: {  	_ =	swait.ge [sflag:s29], $0x1E0  }
0xa2: {  	[sflag:s29] =	ssyncset.done $0x0  }
0xa3: {  	[sflag:s29] =	ssyncadd.s32 $0xFFFFFE20  }
0xa4: {  	_ =	swait.ge [sflag:s11], $0xF000  }
0xa5: {  	[sflag:s11] =	ssyncset.done $0x0  }
0xa6: {  	[sflag:s11] =	ssyncadd.s32 $0xFFFF1000  }
0xa7: {  	[tilespmem:s30], [sflag:$0x4] =	stream.indirect.gather [hbm4b:s3+s19], $0x80, s17, s19, $0xb8;
	[tilespmem:$0x1E3C0] =	vst v63  }
0xa8: {  	_ = 	snop  }
0xa9: {  	[tilespmem:s0], [sflag:$0x4] =	stream.indirect.gather [hbm4b:s3+s19], $0x80, s31, s19, $0xb8;
	[tilespmem:$0x1E3C0] =	vst v63  }
0xaa: {  	_ = 	snop  }
0xab: {  	[tilespmem:s5], [sflag:$0x4] =	stream.indirect.gather [hbm4b:s3+s19], $0x80, s1, s19, $0xb8;
	[tilespmem:$0x1E3C0] =	vst v63  }
0xac: {  	_ = 	snop  }
0xad: {  	[tilespmem:s7], [sflag:$0x4] =	stream.indirect.gather [hbm4b:s3+s24], $0x80, s6, s24, $0xb8;
	[tilespmem:$0x1E3C0] =	vst v63  }
0xae: {  	_ =	swait.ge [sflag:s8], $0xF000  }
0xaf: {  	[sflag:s8] =	ssyncset.done $0x0  }
0xb0: {  	s13 =	rddreg [dreg:$0xf];
	[sflag:s8] =	ssyncadd.s32 $0xFFFF1000  }
0xb1: {  	[hbm4b:s13+s2] =	stream.linear.scatter [tilespmem:s30], [sflag:$0x6], $0xF000, $0x38;
	[tilespmem:$0x1E3C0] =	vst v63  }
0xb2: {  	s14 =	rddreg [dreg:$0x7]  }
0xb3: {  	[tilespmem:s2], [sflag:$0x1] =	stream.linear.gather [hbm4b:s14+s2], $0x80, $0x38;
	[tilespmem:$0x1E3C0] =	vst v63  }
0xb4: {  	_ =	swait.ge [sflag:s18], $0x80  }
0xb5: {  	[sflag:s18] =	ssyncset.done $0x0  }
0xb6: {  	[sflag:s18] =	ssyncadd.s32 $0xFFFFFF80  }
0xb7: {  	_ =	swait.ge [sflag:s9], $0xF000  }
0xb8: {  	[sflag:s9] =	ssyncset.done $0x0  }
0xb9: {  	[sflag:s9] =	ssyncadd.s32 $0xFFFF1000  }
0xba: {  	[tilespmem:s20], [sflag:$0x3] =	stream.indirect.gather [hbm4b:s3+s19], $0x80, s2, s19, $0xb8;
	[tilespmem:$0x1E3C0] =	vst v63  }
0xbb: {  	_ =	swait.ge [sflag:s28], $0x4000  }
0xbc: {  	[sflag:s28] =	ssyncset.done $0x0  }
0xbd: {  	[sflag:s28] =	ssyncadd.s32 $0xFFFFC000  }
0xbe: {  	_ =	swait.ge [sflag:s11], $0xF000  }
0xbf: {  	[sflag:s11] =	ssyncset.done $0x0  }
0xc0: {  	s15 =	rddreg [dreg:$0x8];
	[sflag:s11] =	ssyncadd.s32 $0xFFFF1000  }
0xc1: {  	[hbm4b:s15+s2] =	stream.linear.scatter [tilespmem:s20], [sflag:$0x5], $0x4000, $0x38;
	[tilespmem:$0x1E3C0] =	vst v63  }
0xc2: {  	_ =	swait.ge [sflag:s9], $0x4000  }
0xc3: {  	s4 =	sadd.s32 $0x1, s4;
	s16 =	rddreg [dreg:$0x9]  }
0xc4: {  	p0 =	sne.s32 s4, s16  }
.Ltmp1:
0xc5: {  	_ = 	snop;
	(pc) =	sbr.rel @p0 .LBB2_1-.Ltmp1, $3  }
0xc6: {  	_ =	sdelay $0x1  }
0xc7: {  	[sflag:s9] =	ssyncset.done $0x0  }
0xc8: {  	[sflag:s9] =	ssyncadd.s32 $0xFFFFC000  }
0xc9: {  	_ =	sfence.sel $0x180000  }
0xca: {  	[bflag:$0x0] =	sbarrier.arrive $0xFFFF  }
0xcb: {  	_ =	strace $0x90000047  }
0xcc: {  	s0 =	stileid.u32;
	[bflag:$0x2] =	sbarrier.arrive $0xFFFF  }
0xcd: {  	p0 =	sne.s32 s0, $0x0;
	s0 =	rddreg [dreg:$0x2]  }
0xce: {  	s0 =	sadd.s32 @!p0 $0x100000, s0  }
0xcf: {  	[sflag:s0] =	ssyncadd.tile.s32 @!p0 $0x1;
	_ =	shalt  }
.Lfunc_end2:
_tile_overlayer_lowered:
.L_overlay_start_2:
0xd0: {  	(tag) =	ssettag $0x2  }
0xd1: {  	s0 =	rddreg [dreg:$0x0];
	s2 =	stileid.u32  }
0xd2: {  	s1 =	rddreg [dreg:$0x1];
	p0 =	sne.s32 s2, $0x0  }
0xd3: {  	s3 =	rddreg [dreg:$0x2];
	[bflag:$0x3] =	sbarrier.arrive $0xFFFF;
	s2 =	simm.s32 @!p0 $0x1C07  }
0xd4: {  	[timem:s3], [sflag:s2] =	dma.local @!p0 [hbm:s0], s1  }
0xd5: {  	s0 =	simm.s32 @!p0 $0x7  }
0xd6: {  	_ =	swait.ge @!p0 [sflag:s0], s1  }
0xd7: {  	s1 =	ssub.s32 @!p0 $0x0, s1;
	[sflag:s0] =	ssyncset.done @!p0 $0x0  }
0xd8: {  	[sflag:s0] =	ssyncadd.s32 @!p0 s1  }
0xd9: {  	[bflag:$0x3] =	sbarrier.arrive $0xFFFF  }
0xda: {  	_ =	shalt  }

// kernel: kernel.8.cloned.1.call-start
scs
__scs_entry_jumppad:
0x0: {  	(pc) =	sbr.rel $0x88, $3  }
0x1: {  	(tag) =	ssettag $0x0;
	lr =	simm.s32 $0x1  }
0x2: {  	[smem:$0x3F9B] =	sst lr;
	_ =	strace $0xD0000000  }
0x3: {  	_ = 	snop  }
0x4: {  	_ = 	snop  }
0x5: {  	_ = 	snop  }
0x6: {  	_ = 	snop  }
0x7: {  	_ = 	snop  }
__scs_overlays_trampoline_lowered:
0x8: {  	[smem:$0x3FAA] =	sst s0  }
0x9: {  	[smem:$0x3FAB] =	sst s1  }
0xa: {  	[smem:$0x3FAC] =	sst s2  }
0xb: {  	[smem:$0x3FAD] =	sst s3  }
0xc: {  	[smem:$0x3FAE] =	sst s4  }
0xd: {  	[smem:$0x3FAF] =	sst s5  }
0xe: {  	[smem:$0x3FB0] =	sst s6  }
0xf: {  	[smem:$0x3FB1] =	sst s7  }
0x10: {  	[smem:$0x3FB2] =	sst s8  }
0x11: {  	[smem:$0x3FB3] =	sst s9;
	s0 =	simm.s32 @!p0 $0x0  }
0x12: {  	s1 =	sld [smem:$0x3F99];
	s0 =	simm.s32 @p0 $0x1  }
0x13: {  	[smem:$0x3FB4] =	sst s0;
	s0 =	simm.s32 @!p1 $0x0  }
0x14: {  	s2 =	sld [smem:$0x3F98];
	s0 =	simm.s32 @p1 $0x1  }
0x15: {  	[smem:$0x3FB5] =	sst s0;
	s0 =	simm.s32 @!p2 $0x0  }
0x16: {  	s3 =	sld [smem:$0x3FDB];
	s0 =	simm.s32 @p2 $0x1  }
0x17: {  	s4 =	simm.s32 $0x1BF5;
	[smem:$0x3FB7] =	sst s0  }
0x18: {  	s0 =	sld [smem:$0x3F9A];
	_ =	swait.ge [sflag:s4], $0x0  }
0x19: {  	s7 =	sld [smem:$0x3F9B]  }
0x1a: {  	s8 =	sadd.s32 $0xFFFFE003, lr  }
0x1b: {  	s9 =	sadd.s32 $0xFFFFFEF7, lr;
	s5 =	simm.s32 $0xFFFFFFFF;
	p2 =	slt.u32 s8, $0xFFFFF086  }
0x1c: {  	p1 =	slt.u32 s9, $0xF7A;
	s5 =	simm.s32 @!p2 $0x0  }
0x1d: {  	s5 =	simm.s32 @p1 $0x1;
	p0 =	seq.s32 s7, s2  }
0x1e: {  	s7 =	smul.u32 @!p0 $0xF7A, s2;
	p2 =	seq.s32 @!p0 s5, $0x0  }
0x1f: {  	s9 =	smul.u32 $0xF7A, s1;
	s8 =	simm.s32 @!p0 $0x1BF5;
	p2 =	por !p2, p0  }
0x20: {  	[sflag:s8] =	ssyncset.s32 @!p0 $0xFFFFF086;
	s6 =	sadd.s32 @!p0 s3, s7;
	s7 =	simm.s32 @!p0 $0x108  }
0x21: {  	s3 =	sadd.s32 s3, s9;
	s6 =	sadd.s32 @!p0 $0x88, s6;
	s7 =	simm.s32 @p2 $0x1082  }
0x22: {  	[simem:s7], [sflag:s8] =	dma.local @!p0 [hbm:s6], $0xF7A  }
0x23: {  	s9 =	sor.u32 $0xD0000000, s2;
	s6 =	simm.s32 $0x108;
	_ =	swait.ge @!p0 [sflag:s8], $0x0  }
0x24: {  	s3 =	sadd.s32 $0x88, s3;
	s6 =	simm.s32 @!p1 $0x1082;
	[sflag:s4] =	ssyncset.s32 $0xFFFFF086  }
0x25: {  	[simem:s6], [sflag:s4] =	dma.local [hbm:s3], $0xF7A  }
0x26: {  	[smem:$0x3F9B] =	sst s1;
	(tag) =	ssettag s2;
	_ =	strace s9  }
0x27: {  	s1 =	sld [smem:$0x3FAB]  }
0x28: {  	s2 =	sld [smem:$0x3FAC]  }
0x29: {  	s4 =	sld [smem:$0x3FAE]  }
0x2a: {  	p0 =	seq.s32 s5, $0x0;
	s5 =	sld [smem:$0x3FAF]  }
0x2b: {  	s6 =	sld [smem:$0x3FB0]  }
0x2c: {  	s7 =	sld [smem:$0x3FB1]  }
0x2d: {  	s3 =	simm.s32 $0x108;
	s8 =	sld [smem:$0x3FB2]  }
0x2e: {  	s3 =	simm.s32 @!p0 $0x1082;
	s9 =	sld [smem:$0x3FB3]  }
0x2f: {  	lr =	sadd.s32 s0, s3;
	s0 =	sld [smem:$0x3FAA]  }
0x30: {  	s3 =	sld [smem:$0x3FAD]  }
0x31: {  	[smem:$0x3FB6] =	sst s10  }
0x32: {  	s10 =	sld [smem:$0x3FB4];
	_ =	sdelay $0x3  }
0x33: {  	p0 =	seq.s32 s10, $0x1;
	s10 =	sld [smem:$0x3FB6];
	_ =	sdelay $0x3  }
0x34: {  	[smem:$0x3FB6] =	sst s10  }
0x35: {  	s10 =	sld [smem:$0x3FB5];
	_ =	sdelay $0x3  }
0x36: {  	p1 =	seq.s32 s10, $0x1;
	s10 =	sld [smem:$0x3FB6];
	_ =	sdelay $0x3  }
0x37: {  	[smem:$0x3FB6] =	sst s10  }
0x38: {  	s10 =	sld [smem:$0x3FB7]  }
0x39: {  	_ = 	snop;
	(pc) =	sbr.ind lr, $3  }
0x3a: {  	_ = 	snop  }
0x3b: {  	_ = 	snop  }
0x3c: {  	p2 =	seq.s32 s10, $0x1;
	s10 =	sld [smem:$0x3FB6]  }
0x3d: {  	_ =	shalt  }
0x3e: {  	_ =	shalt  }
0x3f: {  	_ =	shalt  }
0x40: {  	_ =	shalt  }
0x41: {  	_ =	shalt  }
0x42: {  	_ =	shalt  }
0x43: {  	_ =	shalt  }
0x44: {  	_ =	shalt  }
0x45: {  	_ =	shalt  }
0x46: {  	_ =	shalt  }
0x47: {  	_ =	shalt  }
0x48: {  	_ =	shalt  }
0x49: {  	_ =	shalt  }
0x4a: {  	_ =	shalt  }
0x4b: {  	_ =	shalt  }
0x4c: {  	_ =	shalt  }
0x4d: {  	_ =	shalt  }
0x4e: {  	_ =	shalt  }
0x4f: {  	_ =	shalt  }
0x50: {  	_ =	shalt  }
0x51: {  	_ =	shalt  }
0x52: {  	_ =	shalt  }
0x53: {  	_ =	shalt  }
0x54: {  	_ =	shalt  }
0x55: {  	_ =	shalt  }
0x56: {  	_ =	shalt  }
0x57: {  	_ =	shalt  }
0x58: {  	_ =	shalt  }
0x59: {  	_ =	shalt  }
0x5a: {  	_ =	shalt  }
0x5b: {  	_ =	shalt  }
0x5c: {  	_ =	shalt  }
0x5d: {  	_ =	shalt  }
0x5e: {  	_ =	shalt  }
0x5f: {  	_ =	shalt  }
0x60: {  	_ =	shalt  }
0x61: {  	_ =	shalt  }
0x62: {  	_ =	shalt  }
0x63: {  	_ =	shalt  }
0x64: {  	_ =	shalt  }
0x65: {  	_ =	shalt  }
0x66: {  	_ =	shalt  }
0x67: {  	_ =	shalt  }
0x68: {  	_ =	shalt  }
0x69: {  	_ =	shalt  }
0x6a: {  	_ =	shalt  }
0x6b: {  	_ =	shalt  }
0x6c: {  	_ =	shalt  }
0x6d: {  	_ =	shalt  }
0x6e: {  	_ =	shalt  }
0x6f: {  	_ =	shalt  }
0x70: {  	_ =	shalt  }
0x71: {  	_ =	shalt  }
0x72: {  	_ =	shalt  }
0x73: {  	_ =	shalt  }
0x74: {  	_ =	shalt  }
0x75: {  	_ =	shalt  }
0x76: {  	_ =	shalt  }
0x77: {  	_ =	shalt  }
0x78: {  	_ =	shalt  }
0x79: {  	_ =	shalt  }
0x7a: {  	_ =	shalt  }
0x7b: {  	_ =	shalt  }
0x7c: {  	_ =	shalt  }
0x7d: {  	_ =	shalt  }
0x7e: {  	_ =	shalt  }
0x7f: {  	_ =	shalt  }
0x80: {  	_ =	shalt  }
0x81: {  	_ =	shalt  }
0x82: {  	_ =	shalt  }
0x83: {  	_ =	shalt  }
0x84: {  	_ =	shalt  }
0x85: {  	_ =	shalt  }
0x86: {  	_ =	shalt  }
0x87: {  	_ =	shalt  }
.Lfunc_end0:
.L_simem_size_0:
called_computation.3_lowered:
.L_overlay_start_0:
0x88: {  	s2 =	sld [smem:$0x3FD9]  }
0x89: {  	s3 =	sld [smem:$0x3FFE];
	_ =	sdelay $0x1  }
0x8a: {  	s1 =	srdreg.scid  }
0x8b: {  	s0 =	sand.u32 $0x1, s1  }
0x8c: {  	s15 =	sshll.u32 s0, $0xA;
	s2 =	sadd.s32 s3, s2  }
0x8d: {  	s2 =	sadd.s32 s2, s15  }
0x8e: {  	[smem:$0x3FC2] =	sst s2  }
0x8f: {  	_ = 	snop  }
0x90: {  	s2 =	sld [smem:$0x3FD0];
	_ =	sdelay $0x2  }
0x91: {  	s16 =	simm.s32 $0xB;
	s4 =	simm.s32 $0x10  }
0x92: {  	[smem:s4], [sflag:s16] =	dma.local [hbm:s2], $0x1  }
0x93: {  	_ =	swait.eq [sflag:s16], $0x1  }
0x94: {  	[sflag:s16] =	ssyncset.done $0x0  }
0x95: {  	[sflag:s16] =	ssyncadd.s32 $0xFFFFFFFF  }
0x96: {  	s17 =	sld [smem:$0x11];
	(tm) =	ssettm $0x1  }
0x97: {  	s18 =	sld [smem:$0x3FFB];
	_ =	sdelay $0x3  }
0x98: {  	_ =	strace s18  }
0x99: {  	s2 =	sld [smem:$0x3FFC];
	_ =	sdelay $0x3  }
0x9a: {  	_ =	strace s2  }
0x9b: {  	s2 =	sld [smem:$0x3FFD];
	_ =	sdelay $0x3  }
0x9c: {  	_ =	strace s2  }
0x9d: {  	_ =	strace $0x8FFFFFFF  }
0x9e: {  	s19 =	sld [smem:$0x3FDB];
	_ =	sdelay $0x1  }
0x9f: {  	s20 =	simm.s32 $_scs_section_size  }
0xa0: {  	s5 =	simm.s32 $_size__tile_overlayer_lowered;
	s6 =	simm.s32 $_tile_overlayer_lowered  }
0xa1: {  	s7 =	simm.s32 $0x1BFF;
	s21 =	sshll.u32 s6, $0x1;
	s4 =	sadd.s32 s20, s19  }
0xa2: {  	s22 =	simm.s32 $0x0;
	s5 =	sshll.u32 s5, $0x1;
	s6 =	sadd.s32 s21, s4  }
0xa3: {  	[timem:s22], [sflag:s7] =	dma.local [hbm:s6], s5  }
0xa4: {  	_ =	swait.ge [sflag:s7], s5  }
0xa5: {  	s5 =	ssub.s32 $0x0, s5;
	[sflag:s7] =	ssyncset.done $0x0  }
0xa6: {  	[sflag:s7] =	ssyncadd.s32 s5;
	_ =	sdelay $0x1  }
0xa7: {  	s23 =	simm.s32 $0x1B8B  }
0xa8: {  	_ =	swait.ge [sflag:s23], $0x1  }
0xa9: {  	[sflag:s23] =	ssyncset.done $0x0  }
0xaa: {  	[sflag:s23] =	ssyncadd.s32 $0xFFFFFFFF  }
0xab: {  	s5 =	sld [smem:$0x0]  }
0xac: {  	s6 =	sand.u32 $0xFFFFFFFE, s1  }
0xad: {  	p0 =	sne.s32 s1, s6  }
0xae: {  	s6 =	sshll.u32 @p0 s6, $0xE  }
0xaf: {  	s6 =	sadd.s32 @p0 $0x11B8D, s6;
	s7 =	sshll.u32 @p0 s5, $0x11  }
0xb0: {  	s6 =	sor.u32 @p0 s7, s6  }
0xb1: {  	[sflag:s6] =	ssyncadd.remote.s32 @p0 $0x1;
	_ =	sdelay $0x1  }
0xb2: {  	s6 =	simm.s32 @p0 $0x1B8D  }
0xb3: {  	_ =	swait.eq @p0 [sflag:s6], $0x1  }
0xb4: {  	[sflag:s6] =	ssyncadd.s32 @p0 $0xFFFFFFFF  }
0xb5: {  	s7 =	sshll.u32 @!p0 s1, $0xE  }
0xb6: {  	s7 =	sor.u32 @!p0 $0x4000, s7;
	s6 =	simm.s32 @!p0 $0x1B8D  }
0xb7: {  	s5 =	sshll.u32 @!p0 s5, $0x11;
	s7 =	sadd.s32 @!p0 $0x11B8D, s7;
	_ =	swait.eq @!p0 [sflag:s6], $0x1  }
0xb8: {  	s5 =	sor.u32 @!p0 s5, s7;
	[sflag:s6] =	ssyncadd.s32 @!p0 $0xFFFFFFFF  }
0xb9: {  	s25 =	simm.s32 $0x1B8E;
	s24 =	sld [smem:$0x3FFE];
	[sflag:s5] =	ssyncadd.remote.s32 @!p0 $0x1  }
0xba: {  	s26 =	simm.s32 $execute0_lowered;
	[smem:$0x3FD2] =	sst s25  }
0xbb: {  	s6 =	sshll.u32 s26, $0x1;
	_ =	strace $0x80000049;
	[dreg:$0x1] =	wrdreg $0xFFFFFFFF  }
0xbc: {  	s28 =	simm.s32 $_size_execute0_lowered;
	s4 =	sadd.s32 s4, s6;
	[dreg:$0x0] =	wrdreg $0x0  }
0xbd: {  	s6 =	sshll.u32 s28, $0x1;
	[dreg:$0x2] =	wrdreg s4  }
0xbe: {  	[dreg:$0x3] =	wrdreg s6  }
0xbf: {  	[dreg:$0x4] =	wrdreg $0xC0  }
0xc0: {  	_ =	task [dreg:s22], $0x5FFFF  }
0xc1: {  	[dreg:$0x1] =	wrdreg $0xFFFFFFFF  }
0xc2: {  	[dreg:$0x0] =	wrdreg $0x60  }
0xc3: {  	[dreg:$0x2] =	wrdreg s24  }
0xc4: {  	[dreg:$0x3] =	wrdreg s17  }
0xc5: {  	[dreg:$0x4] =	wrdreg $0xA  }
0xc6: {  	_ =	task.clear_ibuf [dreg:s22], $0x5FFFF;
	_ =	strace $0x90000049  }
0xc7: {  	s29 =	simm.s32 $0xA;
	_ =	strace $0x8000004B  }
0xc8: {  	_ =	swait.ge [sflag:s29], $0x1  }
0xc9: {  	[sflag:s29] =	ssyncadd.s32 $0xFFFFFFFF  }
0xca: {  	_ =	strace $0x9000004B  }
0xcb: {  	_ =	sfence  }
0xcc: {  	s30 =	sld [smem:$0x0];
	_ =	sdelay $0x2  }
0xcd: {  	s31 =	sshll.u32 s1, $0xD;
	s1 =	sshrl.u32 s1, $0x2  }
0xce: {  	s4 =	sand.u32 $0x4000, s31;
	s1 =	sadd.s32 s1, s30  }
0xcf: {  	s0 =	sor.u32 s4, s0;
	s1 =	sshll.u32 s1, $0x11  }
0xd0: {  	s0 =	sor.u32 s1, s0  }
0xd1: {  	s0 =	sadd.s32 $0x8F2B, s0  }
0xd2: {  	[sflag:s0] =	ssyncadd.remote.s32 $0x1  }
0xd3: {  	_ =	sfence.sel $0xFFFF  }
0xd4: {  	[dreg:$0x0] =	wrdreg $0xFFFFFFFF;
	(pc) =	sbr.abs _section_cstart, $3  }
0xd5: {  	[dreg:$0x1] =	wrdreg $0xFFFFFFFF  }
0xd6: {  	_ =	task.clear_ibuf [dreg:s22], $0x2FFFF;
	_ =	strace $0x9FFFFFFF  }
0xd7: {  	(tm) =	ssettm $0x7FFFFFFF  }
tec
execute0_lowered:
.L_overlay_start_1:
0x0: {  	(tag) =	ssettag $0x1  }
0x1: {  	s0 =	rddreg [dreg:$0x0]  }
0x2: {  	s1 =	srdreg.scid;
	s12 =	stileid.u32  }
0x3: {  	s4 =	rddreg [dreg:$0x1];
	s2 =	simm.s32 $0x0;
	s28 =	simm.s32 $0x3  }
0x4: {  	s29 =	simm.s32 $0x2;
	s1 =	sand.u32 $0x1, s1;
	s25 =	smul.u32 $0x6280, s12  }
0x5: {  	s30 =	simm.s32 $0xF3C0;
	s3 =	sshll.u32 s12, $0x1;
	s13 =	smul.u32 $0x3140, s1  }
0x6: {  	s5 =	sor.u32 s1, s3;
	s8 =	ssub.s32 $0x2, s1;
	s1 =	smul.u32 $0x31400, s1  }
0x7: {  	s31 =	simm.s32 $0x260;
	[smem:$0x7FF] =	sst s2;
	s6 =	smul.u32 $0x3140, s5  }
0x8: {  	s7 =	sadd.s32 $0x33000, s0;
	_ =	strace $0x8000004A;
	s11 =	smul.u32 $0x18A000, s5  }
0x9: {  	s3 =	sadd.s32 $0x1C00, s0;
	s9 =	sshrl.u32 s8, $0x1;
	s5 =	smul.u32 $0x31400, s5  }
0xa: {  	s21 =	ssub.s32 s8, s9;
	s18 =	sadd.s32 s13, s25;
	s9 =	simm.s32 $0x6  }
0xb: {  	s20 =	sshrl.u32 s6, $0x3;
	s24 =	sshrl.u32 s11, $0x3;
	s6 =	sshll.u32 s6, $0x4  }
0xc: {  	s0 =	smax.u32 s21, $0x1;
	s15 =	sadd.s32 s4, s5;
	s5 =	sadd.s32 $0x62F80, s18  }
0xd: {  	s11 =	simm.s32 $0x0;
	s10 =	sadd.s32 s7, s20;
	[dreg:$0x9] =	wrdreg s0  }
0xe: {  	s8 =	sadd.s32 s4, s24;
	s19 =	sadd.s32 $0x2D000, s15;
	[dreg:$0xb] =	wrdreg s15  }
0xf: {  	s17 =	sadd.s32 s4, s6;
	s21 =	sadd.s32 $0x2EE00, s15;
	[dreg:$0xe] =	wrdreg s19  }
0x10: {  	s20 =	sshll.u32 s18, $0x4;
	s22 =	sadd.s32 $0xC500, s10;
	[dreg:$0xf] =	wrdreg s21  }
0x11: {  	s24 =	sshrl.u32 s5, $0x3;
	s23 =	sadd.s32 $0xC53C, s10;
	[dreg:$0x5] =	wrdreg s22  }
0x12: {  	s5 =	simm.s32 $0x360;
	s26 =	sadd.s32 $0xCB18, s10;
	[dreg:$0x6] =	wrdreg s23  }
0x13: {  	s6 =	simm.s32 $0x1B3C0;
	s8 =	sadd.s32 $0x30C00, s8;
	[dreg:$0x7] =	wrdreg s26  }
0x14: {  	s14 =	sadd.s32 $0xC578, s10;
	s16 =	sadd.s32 $0xC5B4, s10;
	[dreg:$0x8] =	wrdreg s8  }
0x15: {  	s0 =	sadd.s32 $0x1E00, s17;
	s17 =	simm.s32 $0x1E0;
	[dreg:$0xa] =	wrdreg s14  }
0x16: {  	s19 =	simm.s32 $0x80;
	s21 =	simm.s32 $0x43C0;
	[dreg:$0xc] =	wrdreg s16  }
0x17: {  	[dreg:$0xd] =	wrdreg s0;
	s0 =	sadd.s32 s4, s20;
	s22 =	smul.u32 $0x62800, s12  }
0x18: {  	s23 =	sadd.s32 $0x63160, s18;
	s26 =	sadd.s32 s24, s7;
	s18 =	simm.s32 $0x1  }
0x19: {  	s20 =	simm.s32 $0x3C0;
	s24 =	simm.s32 $0x60;
	s8 =	simm.s32 $0x5  }
0x1a: {  	s0 =	sadd.s32 $0x5A00, s0;
	[dreg:$0x4] =	wrdreg s26;
	s26 =	simm.s32 $0xC3C0  }
0x1b: {  	[dreg:$0x10] =	wrdreg s0;
	s0 =	sshrl.u32 s23, $0x3;
	s4 =	sadd.s32 s22, s4  }
0x1c: {  	s22 =	simm.s32 $0x100;
	s23 =	simm.s32 $0x83C0;
	s0 =	sadd.s32 s0, s7  }
0x1d: {  	s1 =	sadd.s32 s1, s4;
	s4 =	simm.s32 $0x173C0;
	s7 =	simm.s32 $0x4  }
0x1e: {  	[dreg:$0x3] =	wrdreg s0;
	s25 =	sadd.s32 $0x3C00, s1;
	s1 =	simm.s32 $0x133C0  }
0x1f: {  	s0 =	simm.s32 $0x2E0;
	[dreg:$0x11] =	wrdreg s25;
	s25 =	simm.s32 $0x180  }
.LBB2_1:
0x20: {  	s10 =	rddreg [dreg:$0x5]  }
0x21: {  	[tilespmem:s2], [sflag:$0x1] =	stream.linear.gather [hbm4b:s10+s2], $0x1E0, $0x38;
	[tilespmem:$0x1E3C0] =	vst v63  }
0x22: {  	s15 =	rddreg [dreg:$0x6]  }
0x23: {  	[tilespmem:s17], [sflag:$0x2] =	stream.linear.gather [hbm4b:s15+s2], $0x1E0, $0x38;
	[tilespmem:$0x1E3C0] =	vst v63  }
0x24: {  	_ =	swait.ge [sflag:s18], $0x1E0  }
0x25: {  	[sflag:s18] =	ssyncset.done $0x0  }
0x26: {  	[sflag:s18] =	ssyncadd.s32 $0xFFFFFE20  }
0x27: {  	[tilespmem:s20], [sflag:$0x3] =	stream.indirect.gather [hbm4b:s3+s19], $0x80, s2, s19, $0xb8;
	[tilespmem:$0x1E3C0] =	vst v63  }
0x28: {  	_ = 	snop  }
0x29: {  	[tilespmem:s21], [sflag:$0x3] =	stream.indirect.gather [hbm4b:s3+s19], $0x80, s19, s19, $0xb8;
	[tilespmem:$0x1E3C0] =	vst v63  }
0x2a: {  	_ = 	snop  }
0x2b: {  	[tilespmem:s23], [sflag:$0x3] =	stream.indirect.gather [hbm4b:s3+s19], $0x80, s22, s19, $0xb8;
	[tilespmem:$0x1E3C0] =	vst v63  }
0x2c: {  	_ = 	snop  }
0x2d: {  	[tilespmem:s26], [sflag:$0x3] =	stream.indirect.gather [hbm4b:s3+s24], $0x80, s25, s24, $0xb8;
	[tilespmem:$0x1E3C0] =	vst v63  }
0x2e: {  	_ =	swait.ge [sflag:s28], $0xF000  }
0x2f: {  	[sflag:s28] =	ssyncset.done $0x0  }
0x30: {  	s16 =	rddreg [dreg:$0xa];
	[sflag:s28] =	ssyncadd.s32 $0xFFFF1000  }
0x31: {  	[tilespmem:s2], [sflag:$0x1] =	stream.linear.gather [hbm4b:s16+s2], $0x1E0, $0x38;
	[tilespmem:$0x1E3C0] =	vst v63  }
0x32: {  	s12 =	rddreg [dreg:$0xb]  }
0x33: {  	[hbm4b:s12+s2] =	stream.linear.scatter [tilespmem:s20], [sflag:$0x5], $0xF000, $0x38;
	[tilespmem:$0x1E3C0] =	vst v63  }
0x34: {  	_ =	swait.ge [sflag:s29], $0x1E0  }
0x35: {  	[sflag:s29] =	ssyncset.done $0x0  }
0x36: {  	[sflag:s29] =	ssyncadd.s32 $0xFFFFFE20  }
0x37: {  	[tilespmem:s30], [sflag:$0x4] =	stream.indirect.gather [hbm4b:s3+s19], $0x80, s17, s19, $0xb8;
	[tilespmem:$0x1E3C0] =	vst v63  }
0x38: {  	_ = 	snop  }
0x39: {  	[tilespmem:s1], [sflag:$0x4] =	stream.indirect.gather [hbm4b:s3+s19], $0x80, s31, s19, $0xb8;
	[tilespmem:$0x1E3C0] =	vst v63  }
0x3a: {  	_ = 	snop  }
0x3b: {  	[tilespmem:s4], [sflag:$0x4] =	stream.indirect.gather [hbm4b:s3+s19], $0x80, s0, s19, $0xb8;
	[tilespmem:$0x1E3C0] =	vst v63  }
0x3c: {  	_ = 	snop  }
0x3d: {  	[tilespmem:s6], [sflag:$0x4] =	stream.indirect.gather [hbm4b:s3+s24], $0x80, s5, s24, $0xb8;
	[tilespmem:$0x1E3C0] =	vst v63  }
0x3e: {  	_ =	swait.ge [sflag:s7], $0xF000  }
0x3f: {  	[sflag:s7] =	ssyncset.done $0x0  }
0x40: {  	s13 =	rddreg [dreg:$0xc];
	[sflag:s7] =	ssyncadd.s32 $0xFFFF1000  }
0x41: {  	[tilespmem:s17], [sflag:$0x2] =	stream.linear.gather [hbm4b:s13+s2], $0x1E0, $0x38;
	[tilespmem:$0x1E3C0] =	vst v63  }
0x42: {  	s14 =	rddreg [dreg:$0xd]  }
0x43: {  	[hbm4b:s14+s2] =	stream.linear.scatter [tilespmem:s30], [sflag:$0x6], $0xF000, $0x38;
	[tilespmem:$0x1E3C0] =	vst v63  }
0x44: {  	_ =	swait.ge [sflag:s18], $0x1E0  }
0x45: {  	[sflag:s18] =	ssyncset.done $0x0  }
0x46: {  	[sflag:s18] =	ssyncadd.s32 $0xFFFFFE20  }
0x47: {  	_ =	swait.ge [sflag:s8], $0xF000  }
0x48: {  	[sflag:s8] =	ssyncset.done $0x0  }
0x49: {  	[sflag:s8] =	ssyncadd.s32 $0xFFFF1000  }
0x4a: {  	[tilespmem:s20], [sflag:$0x3] =	stream.indirect.gather [hbm4b:s3+s19], $0x80, s2, s19, $0xb8;
	[tilespmem:$0x1E3C0] =	vst v63  }
0x4b: {  	_ = 	snop  }
0x4c: {  	[tilespmem:s21], [sflag:$0x3] =	stream.indirect.gather [hbm4b:s3+s19], $0x80, s19, s19, $0xb8;
	[tilespmem:$0x1E3C0] =	vst v63  }
0x4d: {  	_ = 	snop  }
0x4e: {  	[tilespmem:s23], [sflag:$0x3] =	stream.indirect.gather [hbm4b:s3+s19], $0x80, s22, s19, $0xb8;
	[tilespmem:$0x1E3C0] =	vst v63  }
0x4f: {  	_ = 	snop  }
0x50: {  	[tilespmem:s26], [sflag:$0x3] =	stream.indirect.gather [hbm4b:s3+s24], $0x80, s25, s24, $0xb8;
	[tilespmem:$0x1E3C0] =	vst v63  }
0x51: {  	_ =	swait.ge [sflag:s28], $0xF000  }
0x52: {  	s15 =	rddreg [dreg:$0x4];
	[sflag:s28] =	ssyncset.done $0x0  }
0x53: {  	[sflag:s28] =	ssyncadd.s32 $0xFFFF1000;
	s10 =	sadd.s32 $0x0, s15  }
0x54: {  	[tilespmem:s2], [sflag:$0x1] =	stream.linear.gather [hbm4b:s10+s2], $0x1E0, $0x38;
	[tilespmem:$0x1E3C0] =	vst v63  }
0x55: {  	s14 =	rddreg [dreg:$0x11]  }
0x56: {  	[hbm4b:s14+s2] =	stream.linear.scatter [tilespmem:s20], [sflag:$0x5], $0xF000, $0x38;
	[tilespmem:$0x1E3C0] =	vst v63  }
0x57: {  	_ =	swait.ge [sflag:s29], $0x1E0  }
0x58: {  	[sflag:s29] =	ssyncset.done $0x0  }
0x59: {  	[sflag:s29] =	ssyncadd.s32 $0xFFFFFE20  }
0x5a: {  	_ =	swait.ge [sflag:s9], $0xF000  }
0x5b: {  	[sflag:s9] =	ssyncset.done $0x0  }
0x5c: {  	[sflag:s9] =	ssyncadd.s32 $0xFFFF1000  }
0x5d: {  	[tilespmem:s30], [sflag:$0x4] =	stream.indirect.gather [hbm4b:s3+s19], $0x80, s17, s19, $0xb8;
	[tilespmem:$0x1E3C0] =	vst v63  }
0x5e: {  	_ = 	snop  }
0x5f: {  	[tilespmem:s1], [sflag:$0x4] =	stream.indirect.gather [hbm4b:s3+s19], $0x80, s31, s19, $0xb8;
	[tilespmem:$0x1E3C0] =	vst v63  }
0x60: {  	_ = 	snop  }
0x61: {  	[tilespmem:s4], [sflag:$0x4] =	stream.indirect.gather [hbm4b:s3+s19], $0x80, s0, s19, $0xb8;
	[tilespmem:$0x1E3C0] =	vst v63  }
0x62: {  	_ = 	snop  }
0x63: {  	[tilespmem:s6], [sflag:$0x4] =	stream.indirect.gather [hbm4b:s3+s24], $0x80, s5, s24, $0xb8;
	[tilespmem:$0x1E3C0] =	vst v63  }
0x64: {  	_ =	swait.ge [sflag:s7], $0xF000  }
0x65: {  	s12 =	simm.s32 $0x78;
	s16 =	rddreg [dreg:$0x3]  }
0x66: {  	s14 =	sadd.s32 $0x3C00, s14;
	[sflag:s7] =	ssyncset.done $0x0;
	s15 =	rddreg [dreg:$0x10]  }
0x67: {  	[sflag:s7] =	ssyncadd.s32 $0xFFFF1000;
	s10 =	sadd.s32 $0x0, s16;
	s13 =	sadd.s32 $0x3C00, s15  }
0x68: {  	[tilespmem:s17], [sflag:$0x2] =	stream.linear.gather [hbm4b:s10+s2], $0x1E0, $0x38;
	[tilespmem:$0x1E3C0] =	vst v63  }
.LBB2_2:
0x69: {  	[hbm4b:s15+s2] =	stream.linear.scatter [tilespmem:s30], [sflag:$0x6], $0xF000, $0x38;
	[tilespmem:$0x1E3C0] =	vst v63  }
0x6a: {  	_ =	swait.ge [sflag:s18], $0x1E0  }
0x6b: {  	[sflag:s18] =	ssyncset.done $0x0  }
0x6c: {  	[sflag:s18] =	ssyncadd.s32 $0xFFFFFE20  }
0x6d: {  	_ =	swait.ge [sflag:s8], $0xF000  }
0x6e: {  	[sflag:s8] =	ssyncset.done $0x0  }
0x6f: {  	[sflag:s8] =	ssyncadd.s32 $0xFFFF1000  }
0x70: {  	[tilespmem:s20], [sflag:$0x3] =	stream.indirect.gather [hbm4b:s3+s19], $0x80, s2, s19, $0xb8;
	[tilespmem:$0x1E3C0] =	vst v63  }
0x71: {  	_ = 	snop  }
0x72: {  	[tilespmem:s21], [sflag:$0x3] =	stream.indirect.gather [hbm4b:s3+s19], $0x80, s19, s19, $0xb8;
	[tilespmem:$0x1E3C0] =	vst v63  }
0x73: {  	_ = 	snop  }
0x74: {  	[tilespmem:s23], [sflag:$0x3] =	stream.indirect.gather [hbm4b:s3+s19], $0x80, s22, s19, $0xb8;
	[tilespmem:$0x1E3C0] =	vst v63  }
0x75: {  	_ = 	snop  }
0x76: {  	[tilespmem:s26], [sflag:$0x3] =	stream.indirect.gather [hbm4b:s3+s24], $0x80, s25, s24, $0xb8;
	[tilespmem:$0x1E3C0] =	vst v63  }
0x77: {  	_ =	swait.ge [sflag:s28], $0xF000  }
0x78: {  	s10 =	smov.u32 s12;
	s16 =	rddreg [dreg:$0x4];
	[sflag:s28] =	ssyncset.done $0x0  }
0x79: {  	[sflag:s28] =	ssyncadd.s32 $0xFFFF1000;
	s16 =	sadd.s32 s10, s16  }
0x7a: {  	[tilespmem:s2], [sflag:$0x1] =	stream.linear.gather [hbm4b:s16+s2], $0x1E0, $0x38;
	[tilespmem:$0x1E3C0] =	vst v63  }
0x7b: {  	_ = 	snop  }
0x7c: {  	[hbm4b:s14+s2] =	stream.linear.scatter [tilespmem:s20], [sflag:$0x5], $0xF000, $0x38;
	[tilespmem:$0x1E3C0] =	vst v63  }
0x7d: {  	_ =	swait.ge [sflag:s29], $0x1E0  }
0x7e: {  	[sflag:s29] =	ssyncset.done $0x0  }
0x7f: {  	[sflag:s29] =	ssyncadd.s32 $0xFFFFFE20  }
0x80: {  	_ =	swait.ge [sflag:s9], $0xF000  }
0x81: {  	[sflag:s9] =	ssyncset.done $0x0  }
0x82: {  	[sflag:s9] =	ssyncadd.s32 $0xFFFF1000  }
0x83: {  	[tilespmem:s30], [sflag:$0x4] =	stream.indirect.gather [hbm4b:s3+s19], $0x80, s17, s19, $0xb8;
	[tilespmem:$0x1E3C0] =	vst v63  }
0x84: {  	_ = 	snop  }
0x85: {  	[tilespmem:s1], [sflag:$0x4] =	stream.indirect.gather [hbm4b:s3+s19], $0x80, s31, s19, $0xb8;
	[tilespmem:$0x1E3C0] =	vst v63  }
0x86: {  	_ = 	snop  }
0x87: {  	[tilespmem:s4], [sflag:$0x4] =	stream.indirect.gather [hbm4b:s3+s19], $0x80, s0, s19, $0xb8;
	[tilespmem:$0x1E3C0] =	vst v63  }
0x88: {  	p0 =	sne.s32 s12, $0x4B0  }
0x89: {  	[tilespmem:s6], [sflag:$0x4] =	stream.indirect.gather [hbm4b:s3+s24], $0x80, s5, s24, $0xb8;
	[tilespmem:$0x1E3C0] =	vst v63  }
.Ltmp0:
0x8a: {  	_ = 	snop;
	(pc) =	sbr.rel @p0 .LBB2_2-.Ltmp0, $4  }
0x8b: {  	s15 =	smov.u32 s13;
	s12 =	sadd.s32 $0x78, s12;
	_ =	swait.ge [sflag:s7], $0xF000  }
0x8c: {  	s13 =	sadd.s32 $0x3C00, s13;
	s16 =	rddreg [dreg:$0x3];
	[sflag:s7] =	ssyncset.done $0x0  }
0x8d: {  	s14 =	sadd.s32 $0x3C00, s14;
	[sflag:s7] =	ssyncadd.s32 $0xFFFF1000;
	s10 =	sadd.s32 s10, s16  }
0x8e: {  	[tilespmem:s17], [sflag:$0x2] =	stream.linear.gather [hbm4b:s10+s2], $0x1E0, $0x38;
	[tilespmem:$0x1E3C0] =	vst v63  }
0x8f: {  	[hbm4b:s15+s2] =	stream.linear.scatter [tilespmem:s30], [sflag:$0x6], $0xF000, $0x38;
	[tilespmem:$0x1E3C0] =	vst v63  }
0x90: {  	_ =	swait.ge [sflag:s18], $0x1E0  }
0x91: {  	[sflag:s18] =	ssyncset.done $0x0  }
0x92: {  	[sflag:s18] =	ssyncadd.s32 $0xFFFFFE20  }
0x93: {  	_ =	swait.ge [sflag:s8], $0xF000  }
0x94: {  	[sflag:s8] =	ssyncset.done $0x0  }
0x95: {  	[sflag:s8] =	ssyncadd.s32 $0xFFFF1000  }
0x96: {  	[tilespmem:s20], [sflag:$0x3] =	stream.indirect.gather [hbm4b:s3+s19], $0x80, s2, s19, $0xb8;
	[tilespmem:$0x1E3C0] =	vst v63  }
0x97: {  	_ = 	snop  }
0x98: {  	[tilespmem:s21], [sflag:$0x3] =	stream.indirect.gather [hbm4b:s3+s19], $0x80, s19, s19, $0xb8;
	[tilespmem:$0x1E3C0] =	vst v63  }
0x99: {  	_ = 	snop  }
0x9a: {  	[tilespmem:s23], [sflag:$0x3] =	stream.indirect.gather [hbm4b:s3+s19], $0x80, s22, s19, $0xb8;
	[tilespmem:$0x1E3C0] =	vst v63  }
0x9b: {  	_ = 	snop  }
0x9c: {  	[tilespmem:s26], [sflag:$0x3] =	stream.indirect.gather [hbm4b:s3+s24], $0x80, s25, s24, $0xb8;
	[tilespmem:$0x1E3C0] =	vst v63  }
0x9d: {  	_ =	swait.ge [sflag:s28], $0xF000  }
0x9e: {  	[sflag:s28] =	ssyncset.done $0x0  }
0x9f: {  	s10 =	rddreg [dreg:$0xe];
	[sflag:s28] =	ssyncadd.s32 $0xFFFF1000  }
0xa0: {  	[hbm4b:s10+s2] =	stream.linear.scatter [tilespmem:s20], [sflag:$0x5], $0xF000, $0x38;
	[tilespmem:$0x1E3C0] =	vst v63  }
0xa1: {  	_ =	swait.ge [sflag:s29], $0x1E0  }
0xa2: {  	[sflag:s29] =	ssyncset.done $0x0  }
0xa3: {  	[sflag:s29] =	ssyncadd.s32 $0xFFFFFE20  }
0xa4: {  	_ =	swait.ge [sflag:s9], $0xF000  }
0xa5: {  	[sflag:s9] =	ssyncset.done $0x0  }
0xa6: {  	[sflag:s9] =	ssyncadd.s32 $0xFFFF1000  }
0xa7: {  	[tilespmem:s30], [sflag:$0x4] =	stream.indirect.gather [hbm4b:s3+s19], $0x80, s17, s19, $0xb8;
	[tilespmem:$0x1E3C0] =	vst v63  }
0xa8: {  	_ = 	snop  }
0xa9: {  	[tilespmem:s1], [sflag:$0x4] =	stream.indirect.gather [hbm4b:s3+s19], $0x80, s31, s19, $0xb8;
	[tilespmem:$0x1E3C0] =	vst v63  }
0xaa: {  	_ = 	snop  }
0xab: {  	[tilespmem:s4], [sflag:$0x4] =	stream.indirect.gather [hbm4b:s3+s19], $0x80, s0, s19, $0xb8;
	[tilespmem:$0x1E3C0] =	vst v63  }
0xac: {  	_ = 	snop  }
0xad: {  	[tilespmem:s6], [sflag:$0x4] =	stream.indirect.gather [hbm4b:s3+s24], $0x80, s5, s24, $0xb8;
	[tilespmem:$0x1E3C0] =	vst v63  }
0xae: {  	_ =	swait.ge [sflag:s7], $0xF000  }
0xaf: {  	[sflag:s7] =	ssyncset.done $0x0  }
0xb0: {  	s13 =	rddreg [dreg:$0xf];
	[sflag:s7] =	ssyncadd.s32 $0xFFFF1000  }
0xb1: {  	[hbm4b:s13+s2] =	stream.linear.scatter [tilespmem:s30], [sflag:$0x6], $0xF000, $0x38;
	[tilespmem:$0x1E3C0] =	vst v63  }
0xb2: {  	s14 =	rddreg [dreg:$0x7]  }
0xb3: {  	[tilespmem:s2], [sflag:$0x1] =	stream.linear.gather [hbm4b:s14+s2], $0x80, $0x38;
	[tilespmem:$0x1E3C0] =	vst v63  }
0xb4: {  	_ =	swait.ge [sflag:s18], $0x80  }
0xb5: {  	[sflag:s18] =	ssyncset.done $0x0  }
0xb6: {  	[sflag:s18] =	ssyncadd.s32 $0xFFFFFF80  }
0xb7: {  	_ =	swait.ge [sflag:s8], $0xF000  }
0xb8: {  	[sflag:s8] =	ssyncset.done $0x0  }
0xb9: {  	[sflag:s8] =	ssyncadd.s32 $0xFFFF1000  }
0xba: {  	[tilespmem:s20], [sflag:$0x3] =	stream.indirect.gather [hbm4b:s3+s19], $0x80, s2, s19, $0xb8;
	[tilespmem:$0x1E3C0] =	vst v63  }
0xbb: {  	_ =	swait.ge [sflag:s28], $0x4000  }
0xbc: {  	[sflag:s28] =	ssyncset.done $0x0  }
0xbd: {  	[sflag:s28] =	ssyncadd.s32 $0xFFFFC000  }
0xbe: {  	_ =	swait.ge [sflag:s9], $0xF000  }
0xbf: {  	[sflag:s9] =	ssyncset.done $0x0  }
0xc0: {  	s15 =	rddreg [dreg:$0x8];
	[sflag:s9] =	ssyncadd.s32 $0xFFFF1000  }
0xc1: {  	[hbm4b:s15+s2] =	stream.linear.scatter [tilespmem:s20], [sflag:$0x5], $0x4000, $0x38;
	[tilespmem:$0x1E3C0] =	vst v63  }
0xc2: {  	_ =	swait.ge [sflag:s8], $0x4000  }
0xc3: {  	s11 =	sadd.s32 $0x1, s11;
	s16 =	rddreg [dreg:$0x9]  }
0xc4: {  	p0 =	sne.s32 s11, s16  }
.Ltmp1:
0xc5: {  	_ = 	snop;
	(pc) =	sbr.rel @p0 .LBB2_1-.Ltmp1, $3  }
0xc6: {  	_ =	sdelay $0x1  }
0xc7: {  	[sflag:s8] =	ssyncset.done $0x0  }
0xc8: {  	[sflag:s8] =	ssyncadd.s32 $0xFFFFC000  }
0xc9: {  	_ =	sfence.sel $0x180000  }
0xca: {  	[bflag:$0x0] =	sbarrier.arrive $0xFFFF  }
0xcb: {  	_ =	strace $0x9000004A  }
0xcc: {  	s0 =	stileid.u32;
	[bflag:$0x2] =	sbarrier.arrive $0xFFFF  }
0xcd: {  	p0 =	sne.s32 s0, $0x0;
	s0 =	rddreg [dreg:$0x2]  }
0xce: {  	s0 =	sadd.s32 @!p0 $0x100000, s0  }
0xcf: {  	[sflag:s0] =	ssyncadd.tile.s32 @!p0 $0x1;
	_ =	shalt  }
.Lfunc_end2:
_tile_overlayer_lowered:
.L_overlay_start_2:
0xd0: {  	(tag) =	ssettag $0x2  }
0xd1: {  	s0 =	rddreg [dreg:$0x0];
	s2 =	stileid.u32  }
0xd2: {  	s1 =	rddreg [dreg:$0x1];
	p0 =	sne.s32 s2, $0x0  }
0xd3: {  	s3 =	rddreg [dreg:$0x2];
	[bflag:$0x3] =	sbarrier.arrive $0xFFFF;
	s2 =	simm.s32 @!p0 $0x1C07  }
0xd4: {  	[timem:s3], [sflag:s2] =	dma.local @!p0 [hbm:s0], s1  }
0xd5: {  	s0 =	simm.s32 @!p0 $0x7  }
0xd6: {  	_ =	swait.ge @!p0 [sflag:s0], s1  }
0xd7: {  	s1 =	ssub.s32 @!p0 $0x0, s1;
	[sflag:s0] =	ssyncset.done @!p0 $0x0  }
0xd8: {  	[sflag:s0] =	ssyncadd.s32 @!p0 s1  }
0xd9: {  	[bflag:$0x3] =	sbarrier.arrive $0xFFFF  }
0xda: {  	_ =	shalt  }

// kernel: sparse-core-data-format-call.1.cloned.1.call-start
scs
called_computation.1_lowered:
.L_overlay_start_0:
0x0: {  	s2 =	sld [smem:$0x3FD9]  }
0x1: {  	s3 =	sld [smem:$0x3FFE];
	_ =	sdelay $0x1  }
0x2: {  	s1 =	srdreg.scid  }
0x3: {  	s0 =	sand.u32 $0x1, s1  }
0x4: {  	s16 =	sshll.u32 s0, $0xA;
	s2 =	sadd.s32 s3, s2  }
0x5: {  	s2 =	sadd.s32 s2, s16  }
0x6: {  	[smem:$0x3FC2] =	sst s2  }
0x7: {  	_ = 	snop  }
0x8: {  	s2 =	sld [smem:$0x3FD0];
	_ =	sdelay $0x2  }
0x9: {  	s17 =	simm.s32 $0xB;
	s4 =	simm.s32 $0x10  }
0xa: {  	[smem:s4], [sflag:s17] =	dma.local [hbm:s2], $0x1  }
0xb: {  	_ =	swait.eq [sflag:s17], $0x1  }
0xc: {  	[sflag:s17] =	ssyncset.done $0x0  }
0xd: {  	[sflag:s17] =	ssyncadd.s32 $0xFFFFFFFF  }
0xe: {  	s18 =	sld [smem:$0x10];
	(tm) =	ssettm $0x1  }
0xf: {  	s19 =	sld [smem:$0x3FFB];
	_ =	sdelay $0x3  }
0x10: {  	_ =	strace s19  }
0x11: {  	s2 =	sld [smem:$0x3FFC];
	_ =	sdelay $0x3  }
0x12: {  	_ =	strace s2  }
0x13: {  	s2 =	sld [smem:$0x3FFD];
	_ =	sdelay $0x3  }
0x14: {  	_ =	strace s2  }
0x15: {  	_ =	strace $0x8FFFFFFF  }
0x16: {  	s20 =	sld [smem:$0x3FDB];
	_ =	sdelay $0x1  }
0x17: {  	s21 =	simm.s32 $_scs_section_size  }
0x18: {  	s5 =	simm.s32 $_size__tile_overlayer_lowered;
	s6 =	simm.s32 $_tile_overlayer_lowered  }
0x19: {  	s7 =	simm.s32 $0x1BFF;
	s22 =	sshll.u32 s6, $0x1;
	s4 =	sadd.s32 s21, s20  }
0x1a: {  	s23 =	simm.s32 $0x0;
	s5 =	sshll.u32 s5, $0x1;
	s6 =	sadd.s32 s22, s4  }
0x1b: {  	[timem:s23], [sflag:s7] =	dma.local [hbm:s6], s5  }
0x1c: {  	_ =	swait.ge [sflag:s7], s5  }
0x1d: {  	s5 =	ssub.s32 $0x0, s5;
	[sflag:s7] =	ssyncset.done $0x0  }
0x1e: {  	[sflag:s7] =	ssyncadd.s32 s5;
	_ =	sdelay $0x1  }
0x1f: {  	s24 =	simm.s32 $0x1B8B  }
0x20: {  	_ =	swait.ge [sflag:s24], $0x1  }
0x21: {  	[sflag:s24] =	ssyncset.done $0x0  }
0x22: {  	[sflag:s24] =	ssyncadd.s32 $0xFFFFFFFF  }
0x23: {  	s5 =	sld [smem:$0x0]  }
0x24: {  	s6 =	sand.u32 $0xFFFFFFFE, s1  }
0x25: {  	p0 =	sne.s32 s1, s6  }
0x26: {  	s6 =	sshll.u32 @p0 s6, $0xE  }
0x27: {  	s6 =	sadd.s32 @p0 $0x11B8D, s6;
	s7 =	sshll.u32 @p0 s5, $0x11  }
0x28: {  	s6 =	sor.u32 @p0 s7, s6  }
0x29: {  	[sflag:s6] =	ssyncadd.remote.s32 @p0 $0x1;
	_ =	sdelay $0x1  }
0x2a: {  	s6 =	simm.s32 @p0 $0x1B8D  }
0x2b: {  	_ =	swait.eq @p0 [sflag:s6], $0x1  }
0x2c: {  	[sflag:s6] =	ssyncadd.s32 @p0 $0xFFFFFFFF  }
0x2d: {  	s7 =	sshll.u32 @!p0 s1, $0xE  }
0x2e: {  	s7 =	sor.u32 @!p0 $0x4000, s7;
	s6 =	simm.s32 @!p0 $0x1B8D  }
0x2f: {  	s5 =	sshll.u32 @!p0 s5, $0x11;
	s7 =	sadd.s32 @!p0 $0x11B8D, s7;
	_ =	swait.eq @!p0 [sflag:s6], $0x1  }
0x30: {  	s5 =	sor.u32 @!p0 s5, s7;
	[sflag:s6] =	ssyncadd.s32 @!p0 $0xFFFFFFFF  }
0x31: {  	s26 =	simm.s32 $0x1B8E;
	s25 =	sld [smem:$0x3FFE];
	[sflag:s5] =	ssyncadd.remote.s32 @!p0 $0x1  }
0x32: {  	s27 =	simm.s32 $execute0_lowered;
	[smem:$0x3FD2] =	sst s26  }
0x33: {  	s6 =	sshll.u32 s27, $0x1;
	_ =	strace $0x8000004C;
	[dreg:$0x1] =	wrdreg $0xFFFFFFFF  }
0x34: {  	s28 =	simm.s32 $_size_execute0_lowered;
	s4 =	sadd.s32 s4, s6;
	[dreg:$0x0] =	wrdreg $0x0  }
0x35: {  	s6 =	sshll.u32 s28, $0x1;
	[dreg:$0x2] =	wrdreg s4  }
0x36: {  	[dreg:$0x3] =	wrdreg s6  }
0x37: {  	[dreg:$0x4] =	wrdreg $0xC0  }
0x38: {  	_ =	task [dreg:s23], $0x5FFFF  }
0x39: {  	[dreg:$0x1] =	wrdreg $0xFFFFFFFF  }
0x3a: {  	[dreg:$0x0] =	wrdreg $0x60  }
0x3b: {  	[dreg:$0x2] =	wrdreg s25  }
0x3c: {  	[dreg:$0x3] =	wrdreg s18  }
0x3d: {  	[dreg:$0x4] =	wrdreg $0x9  }
0x3e: {  	_ =	task.clear_ibuf [dreg:s23], $0x5FFFF;
	_ =	strace $0x9000004C  }
0x3f: {  	s29 =	simm.s32 $0x9;
	_ =	strace $0x8000004E  }
0x40: {  	_ =	swait.ge [sflag:s29], $0x1  }
0x41: {  	[sflag:s29] =	ssyncadd.s32 $0xFFFFFFFF  }
0x42: {  	_ =	strace $0x9000004E  }
0x43: {  	_ =	sfence  }
0x44: {  	s30 =	sld [smem:$0x0];
	_ =	sdelay $0x2  }
0x45: {  	s31 =	sshll.u32 s1, $0xD;
	s1 =	sshrl.u32 s1, $0x2  }
0x46: {  	s4 =	sand.u32 $0x4000, s31;
	s1 =	sadd.s32 s1, s30  }
0x47: {  	s0 =	sor.u32 s4, s0;
	s1 =	sshll.u32 s1, $0x11  }
0x48: {  	s0 =	sor.u32 s1, s0  }
0x49: {  	s0 =	sadd.s32 $0x8F2B, s0  }
0x4a: {  	[sflag:s0] =	ssyncadd.remote.s32 $0x1  }
0x4b: {  	_ =	sfence.sel $0xFFFF  }
0x4c: {  	[dreg:$0x0] =	wrdreg $0xFFFFFFFF;
	(pc) =	sbr.abs _section_cstart, $3  }
0x4d: {  	[dreg:$0x1] =	wrdreg $0xFFFFFFFF  }
0x4e: {  	_ =	task.clear_ibuf [dreg:s23], $0x2FFFF;
	_ =	strace $0x9FFFFFFF  }
0x4f: {  	(tm) =	ssettm $0x7FFFFFFF  }
tec
execute0_lowered:
.L_overlay_start_1:
0x0: {  	(tag) =	ssettag $0x1  }
0x1: {  	s0 =	srdreg.scid  }
0x2: {  	s1 =	sshll.u32 s0, $0x4  }
0x3: {  	s0 =	stileid.u32;
	s1 =	sand.u32 $0x10, s1  }
0x4: {  	s1 =	sor.u32 s0, s1  }
0x5: {  	s6 =	rddreg [dreg:$0x0];
	s4 =	simm.s32 $0x1;
	s2 =	sshll.u32 s1, $0x7  }
0x6: {  	s7 =	simm.s32 $0x2;
	s12 =	simm.s32 $0x0;
	s1 =	ssub.s32 $0x1000, s2  }
0x7: {  	s8 =	simm.s32 $0x8000;
	s13 =	simm.s32 $0x0;
	s3 =	sand.u32 $0xF80, s1  }
0x8: {  	s9 =	simm.s32 $0x0;
	s5 =	sshrl.u32 s1, $0xC;
	p0 =	sne.s32 s3, $0x0  }
.Ltmp0:
0x9: {  	s1 =	rddreg [dreg:$0x2];
	s4 =	simm.s32 @!p0 $0x0;
	(pc) =	sbr.rel .LBB1_1-.Ltmp0, $4  }
0xa: {  	s11 =	simm.s32 $0x0;
	s3 =	rddreg [dreg:$0x1];
	s5 =	sadd.s32 s4, s5  }
0xb: {  	_ =	strace $0x8000004D;
	s4 =	simm.s32 $0x1;
	s5 =	smul.u32 $0xC5, s5  }
0xc: {  	s6 =	sadd.s32 $0x4BA00, s6;
	s10 =	smov.u32 s2;
	[sflag:s4] =	ssyncpa.u1 $0x0  }
0xd: {  	p0 =	por $0x0, $0x0;
	[sflag:s7] =	ssyncpa.u1 $0x0;
	s7 =	sadd.s32 $0x1, s5  }
.LBB1_4:
0xe: {  	s16 =	sshll.u32 s13, $0x3;
	s17 =	sand.u32 $0x78, s13  }
0xf: {  	s30 =	sand.u32 $0x7E00, s13;
	s12 =	sshll.u32 s12, $0xF;
	s16 =	sand.u32 $0xC00, s16  }
0x10: {  	[tilespmem:s15+$0x810 ss:$0x81] =	vst.msk $0xffff, v2;
	s31 =	sand.u32 $0x7, s13;
	s16 =	sor.u32 s17, s16;
	s17 =	sadd.s32 s3, s30  }
0x11: {  	[tilespmem:s15+$0x1020 ss:$0x81] =	vst.msk $0xffff, v0;
	s13 =	sshll.u32 s31, $0x12;
	s12 =	sadd.s32 s12, s17;
	s16 =	sshrl.u32 s16, $0x3  }
0x12: {  	[tilespmem:s15+$0x0 ss:$0x81] =	vst.msk $0xffff, v1;
	s13 =	sor.u32 $0x400, s13;
	s12 =	sadd.s32 s16, s12  }
0x13: {  	[hbm4b:s12+s13] =	stream.strided.scatter [tilespmem:s14], [sflag:$0x2], $0x2000, s8, s13, $0x20;
	[tilespmem:$0x8080] =	vst v63  }
.LBB1_5:
0x14: {  	s14 =	sadd.s32 $0x1, s9  }
0x15: {  	s12 =	sadd.s32 $0x1000, s10;
	s16 =	smov.u32 s10;
	p2 =	sgt.s32 s14, $0xC4  }
0x16: {  	s16 =	smov.u32 @p2 s12  }
0x17: {  	s14 =	simm.s32 @p2 $0x0;
	p2 =	sgt.s32 s16, $0xFFF  }
0x18: {  	s16 =	smov.u32 @p2 s2;
	p2 =	sne.s32 s11, s7  }
.Ltmp1:
0x19: {  	p1 =	slt.u32 s11, $0x2;
	(pc) =	sbr.rel @!p2 .LBB1_6-.Ltmp1, $4  }
0x1a: {  	s15 =	simm.s32 @!p1 $0x2  }
0x1b: {  	s13 =	smov.u32 s10;
	p0 =	por !p0, !p0;
	_ =	swait.ge @!p1 [sflag:s15], $0x2000  }
0x1c: {  	s12 =	smov.u32 s9;
	[sflag:s15] =	ssyncset.done @!p1 $0x0;
	s9 =	smov.u32 s14  }
0x1d: {  	s11 =	sadd.s32 $0x1, s11;
	[sflag:s15] =	ssyncadd.s32 @!p1 $0xFFFFE000;
	s10 =	smov.u32 s16  }
.LBB1_1:
0x1e: {  	p1 =	sge.u32 s11, s5  }
0x1f: {  	s14 =	sand.u32 @!p1 $0x1FFFFFF, s9  }
0x20: {  	s15 =	smulhi.u32 @!p1 $0x147AE15, s14;
	_ =	sdelay $0x1  }
0x21: {  	s15 =	smul.u32 @!p1 $0xC8, s15  }
0x22: {  	s16 =	sxor.u32 @!p1 $0xFFFFFFFF, s11;
	s17 =	smul.u32 @!p1 $0xC80, s10  }
0x23: {  	s31 =	sadd.s32 $0xFFFFFFFF, s11;
	s16 =	sshll.u32 @!p1 s16, $0xD;
	s14 =	ssub.s32 @!p1 s14, s15  }
0x24: {  	s15 =	sand.u32 @!p1 $0x2000, s16;
	s16 =	sadd.s32 @!p1 s6, s17;
	s14 =	sshll.u32 @!p1 s14, $0x4  }
0x25: {  	s17 =	simm.s32 @!p1 $0x6400;
	s14 =	sadd.s32 @!p1 s14, s16;
	s16 =	simm.s32 @!p1 $0x40  }
0x26: {  	[tilespmem:s15], [sflag:$0x1] =	stream.strided.gather @!p1 [hbm4b:s14+s16], $0x2000, s17, s16, $0x38;
	[tilespmem:$0x8080] =	vst v63  }
0x27: {  	p1 =	sge.u32 s31, s5  }
.Ltmp2:
0x28: {  	_ = 	snop;
	(pc) =	sbr.rel @p1 .LBB1_5-.Ltmp2, $1  }
0x29: {  	_ =	sdelay $0x3  }
0x2a: {  	s14 =	simm.s32 $0x1  }
0x2b: {  	_ =	swait.ge [sflag:s4], $0x2000;
	s14 =	simm.s32 @!p0 $0x0  }
0x2c: {  	[sflag:s4] =	ssyncset.done $0x0;
	s15 =	sshll.u32 s14, $0xD  }
0x2d: {  	[sflag:s4] =	ssyncadd.s32 $0xFFFFE000;
	s18 =	sor.u32 $0x20, s15  }
0x2e: {  	s14 =	smul.u32 $0x8100, s14;
	v3 =	vld [tilespmem:s18+$0x10]  }
0x2f: {  	s30 =	sand.u32 $0x1, s11;
	v2 =	vld [tilespmem:s18+$0xFFFFFFF0]  }
0x30: {  	s15 =	smul.u32 $0x8100, s30;
	s14 =	sshrl.u32 s14, $0x2;
	v0 =	vld [tilespmem:s18+$0x0]  }
0x31: {  	v1 =	vld [tilespmem:s18+$0xFFFFFFE0];
	s16 =	sor.u32 $0x4000, s14  }
0x32: {  	s31 =	sshrl.u32 s15, $0x2;
	s15 =	sadd.s32 $0x0, s16  }
0x33: {  	s17 =	simm.s32 $0x4;
	s18 =	sadd.s32 $0x40, s18;
	s14 =	sor.u32 $0x4000, s31;
	[tilespmem:s15+$0x1830 ss:$0x81] =	vst.msk $0xffff, v3  }
.LBB1_3:
0x34: {  	v3 =	vld [tilespmem:s18+$0x10];
	p1 =	sne.s32 s17, $0x1FC;
	[tilespmem:s15+$0x810 ss:$0x81] =	vst.msk $0xffff, v2;
	s19 =	smov.u32 s17;
	s17 =	sadd.s32 $0x4, s17  }
.Ltmp3:
0x35: {  	v2 =	vld [tilespmem:s18+$0xFFFFFFF0];
	[tilespmem:s15+$0x1020 ss:$0x81] =	vst.msk $0xffff, v0;
	(pc) =	sbr.rel @p1 .LBB1_3-.Ltmp3, $4  }
0x36: {  	v0 =	vld [tilespmem:s18+$0x0];
	[tilespmem:s15+$0x0 ss:$0x81] =	vst.msk $0xffff, v1  }
0x37: {  	s15 =	sshra.s32 s19, $0x2;
	v1 =	vld [tilespmem:s18+$0xFFFFFFE0]  }
0x38: {  	s15 =	sadd.s32 s15, s16  }
0x39: {  	s18 =	sadd.s32 $0x40, s18;
	[tilespmem:s15+$0x1830 ss:$0x81] =	vst.msk $0xffff, v3  }
.Ltmp4:
0x3a: {  	_ = 	snop;
	(pc) =	sbr.rel .LBB1_4-.Ltmp4, $1  }
0x3b: {  	_ =	sdelay $0x3  }
.LBB1_6:
0x3c: {  	_ =	sfence.sel $0x180000  }
0x3d: {  	s2 =	simm.s32 $0x1;
	[bflag:$0x0] =	sbarrier.arrive $0xFFFF  }
0x3e: {  	s31 =	simm.s32 $0x2;
	[sflag:s2] =	ssyncpa.u1 $0x1  }
0x3f: {  	[sflag:s31] =	ssyncpa.u1 $0x1  }
0x40: {  	p0 =	sne.s32 s0, $0x0;
	_ =	strace $0x9000004D  }
0x41: {  	s0 =	sadd.s32 @!p0 $0x100000, s1;
	[bflag:$0x2] =	sbarrier.arrive $0xFFFF  }
0x42: {  	[sflag:s0] =	ssyncadd.tile.s32 @!p0 $0x1;
	_ =	shalt  }
.Lfunc_end1:
_tile_overlayer_lowered:
.L_overlay_start_2:
0x43: {  	(tag) =	ssettag $0x2  }
0x44: {  	s0 =	rddreg [dreg:$0x0];
	s2 =	stileid.u32  }
0x45: {  	s1 =	rddreg [dreg:$0x1];
	p0 =	sne.s32 s2, $0x0  }
0x46: {  	s3 =	rddreg [dreg:$0x2];
	[bflag:$0x3] =	sbarrier.arrive $0xFFFF;
	s2 =	simm.s32 @!p0 $0x1C01  }
0x47: {  	[timem:s3], [sflag:s2] =	dma.local @!p0 [hbm:s0], s1  }
0x48: {  	s0 =	simm.s32 @!p0 $0x1  }
0x49: {  	_ =	swait.ge @!p0 [sflag:s0], s1  }
0x4a: {  	s1 =	ssub.s32 @!p0 $0x0, s1;
	[sflag:s0] =	ssyncset.done @!p0 $0x0  }
0x4b: {  	[sflag:s0] =	ssyncadd.s32 @!p0 s1  }
0x4c: {  	[bflag:$0x3] =	sbarrier.arrive $0xFFFF  }
0x4d: {  	_ =	shalt  }

// kernel: sparse-core-data-format-call.cloned.1.call-start
scs
called_computation_lowered:
.L_overlay_start_0:
0x0: {  	s2 =	sld [smem:$0x3FD9]  }
0x1: {  	s3 =	sld [smem:$0x3FFE];
	_ =	sdelay $0x1  }
0x2: {  	s1 =	srdreg.scid  }
0x3: {  	s0 =	sand.u32 $0x1, s1  }
0x4: {  	s16 =	sshll.u32 s0, $0xA;
	s2 =	sadd.s32 s3, s2  }
0x5: {  	s2 =	sadd.s32 s2, s16  }
0x6: {  	[smem:$0x3FC2] =	sst s2  }
0x7: {  	_ = 	snop  }
0x8: {  	s2 =	sld [smem:$0x3FD0];
	_ =	sdelay $0x2  }
0x9: {  	s17 =	simm.s32 $0xB;
	s4 =	simm.s32 $0x10  }
0xa: {  	[smem:s4], [sflag:s17] =	dma.local [hbm:s2], $0x1  }
0xb: {  	_ =	swait.eq [sflag:s17], $0x1  }
0xc: {  	[sflag:s17] =	ssyncset.done $0x0  }
0xd: {  	[sflag:s17] =	ssyncadd.s32 $0xFFFFFFFF  }
0xe: {  	s18 =	sld [smem:$0x11];
	(tm) =	ssettm $0x1  }
0xf: {  	s19 =	sld [smem:$0x3FFB];
	_ =	sdelay $0x3  }
0x10: {  	_ =	strace s19  }
0x11: {  	s2 =	sld [smem:$0x3FFC];
	_ =	sdelay $0x3  }
0x12: {  	_ =	strace s2  }
0x13: {  	s2 =	sld [smem:$0x3FFD];
	_ =	sdelay $0x3  }
0x14: {  	_ =	strace s2  }
0x15: {  	_ =	strace $0x8FFFFFFF  }
0x16: {  	s20 =	sld [smem:$0x3FDB];
	_ =	sdelay $0x1  }
0x17: {  	s21 =	simm.s32 $_scs_section_size  }
0x18: {  	s5 =	simm.s32 $_size__tile_overlayer_lowered;
	s6 =	simm.s32 $_tile_overlayer_lowered  }
0x19: {  	s7 =	simm.s32 $0x1BFF;
	s22 =	sshll.u32 s6, $0x1;
	s4 =	sadd.s32 s21, s20  }
0x1a: {  	s23 =	simm.s32 $0x0;
	s5 =	sshll.u32 s5, $0x1;
	s6 =	sadd.s32 s22, s4  }
0x1b: {  	[timem:s23], [sflag:s7] =	dma.local [hbm:s6], s5  }
0x1c: {  	_ =	swait.ge [sflag:s7], s5  }
0x1d: {  	s5 =	ssub.s32 $0x0, s5;
	[sflag:s7] =	ssyncset.done $0x0  }
0x1e: {  	[sflag:s7] =	ssyncadd.s32 s5;
	_ =	sdelay $0x1  }
0x1f: {  	s24 =	simm.s32 $0x1B8B  }
0x20: {  	_ =	swait.ge [sflag:s24], $0x1  }
0x21: {  	[sflag:s24] =	ssyncset.done $0x0  }
0x22: {  	[sflag:s24] =	ssyncadd.s32 $0xFFFFFFFF  }
0x23: {  	s5 =	sld [smem:$0x0]  }
0x24: {  	s6 =	sand.u32 $0xFFFFFFFE, s1  }
0x25: {  	p0 =	sne.s32 s1, s6  }
0x26: {  	s6 =	sshll.u32 @p0 s6, $0xE  }
0x27: {  	s6 =	sadd.s32 @p0 $0x11B8D, s6;
	s7 =	sshll.u32 @p0 s5, $0x11  }
0x28: {  	s6 =	sor.u32 @p0 s7, s6  }
0x29: {  	[sflag:s6] =	ssyncadd.remote.s32 @p0 $0x1;
	_ =	sdelay $0x1  }
0x2a: {  	s6 =	simm.s32 @p0 $0x1B8D  }
0x2b: {  	_ =	swait.eq @p0 [sflag:s6], $0x1  }
0x2c: {  	[sflag:s6] =	ssyncadd.s32 @p0 $0xFFFFFFFF  }
0x2d: {  	s7 =	sshll.u32 @!p0 s1, $0xE  }
0x2e: {  	s7 =	sor.u32 @!p0 $0x4000, s7;
	s6 =	simm.s32 @!p0 $0x1B8D  }
0x2f: {  	s5 =	sshll.u32 @!p0 s5, $0x11;
	s7 =	sadd.s32 @!p0 $0x11B8D, s7;
	_ =	swait.eq @!p0 [sflag:s6], $0x1  }
0x30: {  	s5 =	sor.u32 @!p0 s5, s7;
	[sflag:s6] =	ssyncadd.s32 @!p0 $0xFFFFFFFF  }
0x31: {  	s26 =	simm.s32 $0x1B8E;
	s25 =	sld [smem:$0x3FFE];
	[sflag:s5] =	ssyncadd.remote.s32 @!p0 $0x1  }
0x32: {  	s27 =	simm.s32 $execute0_lowered;
	[smem:$0x3FD2] =	sst s26  }
0x33: {  	s6 =	sshll.u32 s27, $0x1;
	_ =	strace $0x8000004F;
	[dreg:$0x1] =	wrdreg $0xFFFFFFFF  }
0x34: {  	s28 =	simm.s32 $_size_execute0_lowered;
	s4 =	sadd.s32 s4, s6;
	[dreg:$0x0] =	wrdreg $0x0  }
0x35: {  	s6 =	sshll.u32 s28, $0x1;
	[dreg:$0x2] =	wrdreg s4  }
0x36: {  	[dreg:$0x3] =	wrdreg s6  }
0x37: {  	[dreg:$0x4] =	wrdreg $0xC0  }
0x38: {  	_ =	task [dreg:s23], $0x5FFFF  }
0x39: {  	[dreg:$0x1] =	wrdreg $0xFFFFFFFF  }
0x3a: {  	[dreg:$0x0] =	wrdreg $0x60  }
0x3b: {  	[dreg:$0x2] =	wrdreg s25  }
0x3c: {  	[dreg:$0x3] =	wrdreg s18  }
0x3d: {  	[dreg:$0x4] =	wrdreg $0xA  }
0x3e: {  	_ =	task.clear_ibuf [dreg:s23], $0x5FFFF;
	_ =	strace $0x9000004F  }
0x3f: {  	s29 =	simm.s32 $0xA;
	_ =	strace $0x80000051  }
0x40: {  	_ =	swait.ge [sflag:s29], $0x1  }
0x41: {  	[sflag:s29] =	ssyncadd.s32 $0xFFFFFFFF  }
0x42: {  	_ =	strace $0x90000051  }
0x43: {  	_ =	sfence  }
0x44: {  	s30 =	sld [smem:$0x0];
	_ =	sdelay $0x2  }
0x45: {  	s31 =	sshll.u32 s1, $0xD;
	s1 =	sshrl.u32 s1, $0x2  }
0x46: {  	s4 =	sand.u32 $0x4000, s31;
	s1 =	sadd.s32 s1, s30  }
0x47: {  	s0 =	sor.u32 s4, s0;
	s1 =	sshll.u32 s1, $0x11  }
0x48: {  	s0 =	sor.u32 s1, s0  }
0x49: {  	s0 =	sadd.s32 $0x8F2B, s0  }
0x4a: {  	[sflag:s0] =	ssyncadd.remote.s32 $0x1  }
0x4b: {  	_ =	sfence.sel $0xFFFF  }
0x4c: {  	[dreg:$0x0] =	wrdreg $0xFFFFFFFF;
	(pc) =	sbr.abs _section_cstart, $3  }
0x4d: {  	[dreg:$0x1] =	wrdreg $0xFFFFFFFF  }
0x4e: {  	_ =	task.clear_ibuf [dreg:s23], $0x2FFFF;
	_ =	strace $0x9FFFFFFF  }
0x4f: {  	(tm) =	ssettm $0x7FFFFFFF  }
tec
execute0_lowered:
.L_overlay_start_1:
0x0: {  	(tag) =	ssettag $0x1  }
0x1: {  	s0 =	srdreg.scid  }
0x2: {  	s1 =	sshll.u32 s0, $0x4  }
0x3: {  	s0 =	stileid.u32;
	s1 =	sand.u32 $0x10, s1  }
0x4: {  	s1 =	sor.u32 s0, s1  }
0x5: {  	s6 =	rddreg [dreg:$0x0];
	s4 =	simm.s32 $0x1;
	s2 =	sshll.u32 s1, $0x7  }
0x6: {  	s7 =	simm.s32 $0x2;
	s12 =	simm.s32 $0x0;
	s1 =	ssub.s32 $0x1000, s2  }
0x7: {  	s8 =	simm.s32 $0x8000;
	s13 =	simm.s32 $0x0;
	s3 =	sand.u32 $0xF80, s1  }
0x8: {  	s9 =	simm.s32 $0x0;
	s5 =	sshrl.u32 s1, $0xC;
	p0 =	sne.s32 s3, $0x0  }
.Ltmp0:
0x9: {  	s1 =	rddreg [dreg:$0x2];
	s4 =	simm.s32 @!p0 $0x0;
	(pc) =	sbr.rel .LBB1_1-.Ltmp0, $4  }
0xa: {  	s11 =	simm.s32 $0x0;
	s3 =	rddreg [dreg:$0x1];
	s5 =	sadd.s32 s4, s5  }
0xb: {  	_ =	strace $0x80000050;
	s4 =	simm.s32 $0x1;
	s5 =	smul.u32 $0xC5, s5  }
0xc: {  	s6 =	sadd.s32 $0xCCBA00, s6;
	s10 =	smov.u32 s2;
	[sflag:s4] =	ssyncpa.u1 $0x0  }
0xd: {  	p0 =	por $0x0, $0x0;
	[sflag:s7] =	ssyncpa.u1 $0x0;
	s7 =	sadd.s32 $0x1, s5  }
.LBB1_4:
0xe: {  	s16 =	sshll.u32 s13, $0x3;
	s17 =	sand.u32 $0x78, s13  }
0xf: {  	s30 =	sand.u32 $0x7E00, s13;
	s12 =	sshll.u32 s12, $0xF;
	s16 =	sand.u32 $0xC00, s16  }
0x10: {  	[tilespmem:s15+$0x810 ss:$0x81] =	vst.msk $0xffff, v2;
	s31 =	sand.u32 $0x7, s13;
	s16 =	sor.u32 s17, s16;
	s17 =	sadd.s32 s3, s30  }
0x11: {  	[tilespmem:s15+$0x1020 ss:$0x81] =	vst.msk $0xffff, v0;
	s13 =	sshll.u32 s31, $0x12;
	s12 =	sadd.s32 s12, s17;
	s16 =	sshrl.u32 s16, $0x3  }
0x12: {  	[tilespmem:s15+$0x0 ss:$0x81] =	vst.msk $0xffff, v1;
	s13 =	sor.u32 $0x400, s13;
	s12 =	sadd.s32 s16, s12  }
0x13: {  	[hbm4b:s12+s13] =	stream.strided.scatter [tilespmem:s14], [sflag:$0x2], $0x2000, s8, s13, $0x20;
	[tilespmem:$0x8080] =	vst v63  }
.LBB1_5:
0x14: {  	s14 =	sadd.s32 $0x1, s9  }
0x15: {  	s12 =	sadd.s32 $0x1000, s10;
	s16 =	smov.u32 s10;
	p2 =	sgt.s32 s14, $0xC4  }
0x16: {  	s16 =	smov.u32 @p2 s12  }
0x17: {  	s14 =	simm.s32 @p2 $0x0;
	p2 =	sgt.s32 s16, $0xFFF  }
0x18: {  	s16 =	smov.u32 @p2 s2;
	p2 =	sne.s32 s11, s7  }
.Ltmp1:
0x19: {  	p1 =	slt.u32 s11, $0x2;
	(pc) =	sbr.rel @!p2 .LBB1_6-.Ltmp1, $4  }
0x1a: {  	s15 =	simm.s32 @!p1 $0x2  }
0x1b: {  	s13 =	smov.u32 s10;
	p0 =	por !p0, !p0;
	_ =	swait.ge @!p1 [sflag:s15], $0x2000  }
0x1c: {  	s12 =	smov.u32 s9;
	[sflag:s15] =	ssyncset.done @!p1 $0x0;
	s9 =	smov.u32 s14  }
0x1d: {  	s11 =	sadd.s32 $0x1, s11;
	[sflag:s15] =	ssyncadd.s32 @!p1 $0xFFFFE000;
	s10 =	smov.u32 s16  }
.LBB1_1:
0x1e: {  	p1 =	sge.u32 s11, s5  }
0x1f: {  	s14 =	sand.u32 @!p1 $0x1FFFFFF, s9  }
0x20: {  	s15 =	smulhi.u32 @!p1 $0x147AE15, s14;
	_ =	sdelay $0x1  }
0x21: {  	s15 =	smul.u32 @!p1 $0xC8, s15  }
0x22: {  	s16 =	sxor.u32 @!p1 $0xFFFFFFFF, s11;
	s17 =	smul.u32 @!p1 $0xC80, s10  }
0x23: {  	s31 =	sadd.s32 $0xFFFFFFFF, s11;
	s16 =	sshll.u32 @!p1 s16, $0xD;
	s14 =	ssub.s32 @!p1 s14, s15  }
0x24: {  	s15 =	sand.u32 @!p1 $0x2000, s16;
	s16 =	sadd.s32 @!p1 s6, s17;
	s14 =	sshll.u32 @!p1 s14, $0x4  }
0x25: {  	s17 =	simm.s32 @!p1 $0x6400;
	s14 =	sadd.s32 @!p1 s14, s16;
	s16 =	simm.s32 @!p1 $0x40  }
0x26: {  	[tilespmem:s15], [sflag:$0x1] =	stream.strided.gather @!p1 [hbm4b:s14+s16], $0x2000, s17, s16, $0x38;
	[tilespmem:$0x8080] =	vst v63  }
0x27: {  	p1 =	sge.u32 s31, s5  }
.Ltmp2:
0x28: {  	_ = 	snop;
	(pc) =	sbr.rel @p1 .LBB1_5-.Ltmp2, $1  }
0x29: {  	_ =	sdelay $0x3  }
0x2a: {  	s14 =	simm.s32 $0x1  }
0x2b: {  	_ =	swait.ge [sflag:s4], $0x2000;
	s14 =	simm.s32 @!p0 $0x0  }
0x2c: {  	[sflag:s4] =	ssyncset.done $0x0;
	s15 =	sshll.u32 s14, $0xD  }
0x2d: {  	[sflag:s4] =	ssyncadd.s32 $0xFFFFE000;
	s18 =	sor.u32 $0x20, s15  }
0x2e: {  	s14 =	smul.u32 $0x8100, s14;
	v3 =	vld [tilespmem:s18+$0x10]  }
0x2f: {  	s30 =	sand.u32 $0x1, s11;
	v2 =	vld [tilespmem:s18+$0xFFFFFFF0]  }
0x30: {  	s15 =	smul.u32 $0x8100, s30;
	s14 =	sshrl.u32 s14, $0x2;
	v0 =	vld [tilespmem:s18+$0x0]  }
0x31: {  	v1 =	vld [tilespmem:s18+$0xFFFFFFE0];
	s16 =	sor.u32 $0x4000, s14  }
0x32: {  	s31 =	sshrl.u32 s15, $0x2;
	s15 =	sadd.s32 $0x0, s16  }
0x33: {  	s17 =	simm.s32 $0x4;
	s18 =	sadd.s32 $0x40, s18;
	s14 =	sor.u32 $0x4000, s31;
	[tilespmem:s15+$0x1830 ss:$0x81] =	vst.msk $0xffff, v3  }
.LBB1_3:
0x34: {  	v3 =	vld [tilespmem:s18+$0x10];
	p1 =	sne.s32 s17, $0x1FC;
	[tilespmem:s15+$0x810 ss:$0x81] =	vst.msk $0xffff, v2;
	s19 =	smov.u32 s17;
	s17 =	sadd.s32 $0x4, s17  }
.Ltmp3:
0x35: {  	v2 =	vld [tilespmem:s18+$0xFFFFFFF0];
	[tilespmem:s15+$0x1020 ss:$0x81] =	vst.msk $0xffff, v0;
	(pc) =	sbr.rel @p1 .LBB1_3-.Ltmp3, $4  }
0x36: {  	v0 =	vld [tilespmem:s18+$0x0];
	[tilespmem:s15+$0x0 ss:$0x81] =	vst.msk $0xffff, v1  }
0x37: {  	s15 =	sshra.s32 s19, $0x2;
	v1 =	vld [tilespmem:s18+$0xFFFFFFE0]  }
0x38: {  	s15 =	sadd.s32 s15, s16  }
0x39: {  	s18 =	sadd.s32 $0x40, s18;
	[tilespmem:s15+$0x1830 ss:$0x81] =	vst.msk $0xffff, v3  }
.Ltmp4:
0x3a: {  	_ = 	snop;
	(pc) =	sbr.rel .LBB1_4-.Ltmp4, $1  }
0x3b: {  	_ =	sdelay $0x3  }
.LBB1_6:
0x3c: {  	_ =	sfence.sel $0x180000  }
0x3d: {  	s2 =	simm.s32 $0x1;
	[bflag:$0x0] =	sbarrier.arrive $0xFFFF  }
0x3e: {  	s31 =	simm.s32 $0x2;
	[sflag:s2] =	ssyncpa.u1 $0x1  }
0x3f: {  	[sflag:s31] =	ssyncpa.u1 $0x1  }
0x40: {  	p0 =	sne.s32 s0, $0x0;
	_ =	strace $0x90000050  }
0x41: {  	s0 =	sadd.s32 @!p0 $0x100000, s1;
	[bflag:$0x2] =	sbarrier.arrive $0xFFFF  }
0x42: {  	[sflag:s0] =	ssyncadd.tile.s32 @!p0 $0x1;
	_ =	shalt  }
.Lfunc_end1:
_tile_overlayer_lowered:
.L_overlay_start_2:
0x43: {  	(tag) =	ssettag $0x2  }
0x44: {  	s0 =	rddreg [dreg:$0x0];
	s2 =	stileid.u32  }
0x45: {  	s1 =	rddreg [dreg:$0x1];
	p0 =	sne.s32 s2, $0x0  }
0x46: {  	s3 =	rddreg [dreg:$0x2];
	[bflag:$0x3] =	sbarrier.arrive $0xFFFF;
	s2 =	simm.s32 @!p0 $0x1C01  }
0x47: {  	[timem:s3], [sflag:s2] =	dma.local @!p0 [hbm:s0], s1  }
0x48: {  	s0 =	simm.s32 @!p0 $0x1  }
0x49: {  	_ =	swait.ge @!p0 [sflag:s0], s1  }
0x4a: {  	s1 =	ssub.s32 @!p0 $0x0, s1;
	[sflag:s0] =	ssyncset.done @!p0 $0x0  }
0x4b: {  	[sflag:s0] =	ssyncadd.s32 @!p0 s1  }
0x4c: {  	[bflag:$0x3] =	sbarrier.arrive $0xFFFF  }
0x4d: {  	_ =	shalt  }

</sc_bundles>
